<compile_context>
chip_gen: v7x
topology: tpu7x:2x2x1
jax: 0.10.2.dev20260603
libtpu: 0.0.44.dev20260713+nightly
codegen_flags: <defaults>
</compile_context>

<pallas_src>
import functools

import jax
import jax.numpy as jnp
from jax import lax
from jax.experimental import pallas as pl
from jax.experimental.pallas import tpu as pltpu
from jax.experimental.pallas import tpu_sc as plsc

N_NODES = 100000
N_EDGES = 1600000
B = 10000
NBR = 20
NODE_DIM = 128
EDGE_DIM = 16
TIME_DIM = 16
QDIM = NODE_DIM + TIME_DIM
N_HEADS = 2
DH = QDIM // N_HEADS
EPR = NODE_DIM // EDGE_DIM

SC_CH = 320
NODE_TOT = 215040
NODE_PW = NODE_TOT // 16
EW_TOT = 204800
EW_PW = EW_TOT // 16
EW_CH = 1600

RB = 80
NRB = RB * NBR
NBLK = B // RB


def _combine_body(m_ref, f_ref, o_ref):
    o_ref[...] = m_ref[...] + f_ref[...]




def _make_sc_body(n_pw, ch):
    nch = n_pw // ch

    def body(table_hbm, idx_hbm, out, idx_v, buf0, buf1, sem0, sem1):
        s = lax.axis_index("s")
        base = s * n_pw
        pltpu.sync_copy(idx_hbm.at[pl.ds(base, n_pw)], idx_v)
        bufs, sems = (buf0, buf1), (sem0, sem1)
        for p in range(2):
            pltpu.async_copy(
                table_hbm.at[idx_v.at[pl.ds(p * ch, ch)]],
                bufs[p], sems[p])

        @pl.loop(0, nch, step=2)
        def _(g):
            for p in range(2):
                cch = g + p
                buf, sem = bufs[p], sems[p]
                pltpu.make_async_copy(
                    table_hbm.at[pl.ds(0, ch)], buf, sem).wait()
                pltpu.sync_copy(
                    buf, out.at[pl.ds(base + cch * ch, ch)])

                @pl.when(cch + 2 < nch)
                def _issue():
                    off = (cch + 2) * ch
                    pltpu.async_copy(
                        table_hbm.at[idx_v.at[pl.ds(off, ch)]],
                        buf, sem)

    return body


_sc_node_body = _make_sc_body(NODE_PW, SC_CH)
_sc_edge_body = _make_sc_body(EW_PW, EW_CH)


def _attn_body(nbr_ref, src_ref, ef_ref, et_ref, ts_ref, mk_ref,
               tw_ref, tb_ref,
               wq1_ref, wq2_ref, bq_ref,
               wkh_ref, wkl_ref, bk_ref, wvh_ref, wvl_ref, bv_ref,
               wo_ref, bo_ref,
               fc1a_ref, fc1b_ref, fc1b_b_ref, fc2_ref, fc2b_ref,
               out_ref):
    f32 = jnp.float32
    i32 = jnp.int32
    rows = lax.broadcasted_iota(i32, (NRB, RB), 0) // NBR
    cols = lax.broadcasted_iota(i32, (NRB, RB), 1)
    bd = (rows == cols).astype(f32)
    rows_t = lax.broadcasted_iota(i32, (RB, NRB), 1) // NBR
    cols_t = lax.broadcasted_iota(i32, (RB, NRB), 0)
    bdt = (rows_t == cols_t).astype(f32)
    dsel = lax.broadcasted_iota(i32, (QDIM, N_HEADS), 0) // DH
    hsel = lax.broadcasted_iota(i32, (QDIM, N_HEADS), 1)
    seg = (dsel == hsel).astype(f32)
    dsel2 = lax.broadcasted_iota(i32, (N_HEADS, QDIM), 1) // DH
    hsel2 = lax.broadcasted_iota(i32, (N_HEADS, QDIM), 0)
    seg_t = (dsel2 == hsel2).astype(f32)

    dotH = functools.partial(jnp.dot, preferred_element_type=f32,
                             precision=lax.Precision.HIGHEST)
    dotD = functools.partial(jnp.dot, preferred_element_type=f32)

    lanesel = (lax.broadcasted_iota(i32, (NRB, NBR), 1)
               == lax.broadcasted_iota(i32, (NRB, NBR), 0) % NBR)

    def expand_col(x):
        e = jnp.where(lanesel, dotD(bd, x), 0.0)
        return jnp.sum(e, axis=1, keepdims=True)

    def split_hi(x):
        return x.astype(jnp.bfloat16).astype(f32)

    def fast_cos(x):
        n = jnp.round(x * 0.15915494309189535)
        y = (x - n * 6.28125) - n * 1.9353071795864769e-3
        t = y * y
        p = 1.736911670047192e-09
        p = p * t - 2.7113368709918984e-07
        p = p * t + 2.4773423737313102e-05
        p = p * t - 1.388797038821366e-03
        p = p * t + 4.166652435845298e-02
        p = p * t - 4.999999177167546e-01
        return p * t + 9.999999922847383e-01

    nbr = nbr_ref[...]
    src = src_ref[...]
    ef = ef_ref[...]
    et2 = et_ref[...]
    et_hi = split_hi(et2)
    et = expand_col(et_hi) + expand_col(et2 - et_hi)
    mask_add = expand_col(mk_ref[...])
    ts2 = ts_ref[...]
    ts_hi = split_hi(ts2)
    ts_rep = dotD(bd, ts_hi) + dotD(bd, ts2 - ts_hi)

    deltas = ts_rep - et
    et_enc = fast_cos(deltas * tw_ref[...] + tb_ref[...])
    st_row = fast_cos(tb_ref[...])

    q = dotH(src, wq1_ref[...]) + dotH(st_row, wq2_ref[...]) + bq_ref[...]
    keyk = jnp.concatenate([nbr, et_enc, ef], axis=1)
    keyk_hi = split_hi(keyk)
    keyk_lo = keyk - keyk_hi
    k = (dotD(keyk_hi, wkh_ref[...]) + dotD(keyk_hi, wkl_ref[...])
         + dotD(keyk_lo, wkh_ref[...]) + bk_ref[...])
    v = (dotD(keyk_hi, wvh_ref[...]) + dotD(keyk_hi, wvl_ref[...])
         + dotD(keyk_lo, wvh_ref[...]) + bv_ref[...])

    q_rep = dotD(bd, q)
    scores = dotD(q_rep * k, seg) * (1.0 / (DH ** 0.5))
    scores = scores + mask_add
    e = jnp.exp(scores)
    den = dotD(bdt, e)
    fully_masked = den[:, 0:1] == 0.0
    den = jnp.where(den == 0.0, 1.0, den)
    attn = e * dotD(bd, 1.0 / den)
    av = dotD(attn, seg_t) * v
    outh = dotD(bdt, av)
    out = dotH(outh, wo_ref[...]) + bo_ref[...]
    out = jnp.where(fully_masked, 0.0, out)

    h1 = jnp.maximum(
        dotH(out, fc1a_ref[...]) + dotH(src, fc1b_ref[...]) + fc1b_b_ref[...],
        0.0)
    out_ref[...] = dotH(h1, fc2_ref[...]) + fc2b_ref[...]


def kernel(memory, node_features, edge_features, timestamps, edge_times,
           time_w, time_b, Wq, bq, Wk, bk, Wv, bv, Wo, bo,
           fc1_w, fc1_b, fc2_w, fc2_b, src_nodes, neighbors, edge_idxs):
    f32 = jnp.float32

    combined = pl.pallas_call(
        _combine_body,
        out_shape=jax.ShapeDtypeStruct((N_NODES, NODE_DIM), f32),
        grid=(50,),
        in_specs=[pl.BlockSpec((2000, NODE_DIM), lambda i: (i, 0)),
                  pl.BlockSpec((2000, NODE_DIM), lambda i: (i, 0))],
        out_specs=pl.BlockSpec((2000, NODE_DIM), lambda i: (i, 0)),
    )(memory, node_features)

    flat_nbr = neighbors.reshape(-1).astype(jnp.int32)
    flat_eix = edge_idxs.reshape(-1).astype(jnp.int32)
    node_idx = jnp.concatenate([
        flat_nbr, src_nodes.astype(jnp.int32),
        jnp.zeros((NODE_TOT - B * NBR - B,), jnp.int32)])
    ew_idx = jnp.concatenate([
        flat_eix, jnp.zeros((EW_TOT - B * NBR,), jnp.int32)])

    mesh = plsc.VectorSubcoreMesh(core_axis_name="c", subcore_axis_name="s",
                                  num_cores=1)
    node_rows = pl.kernel(
        _sc_node_body,
        out_type=jax.ShapeDtypeStruct((NODE_TOT, NODE_DIM), f32),
        mesh=mesh,
        scratch_types=[
            pltpu.VMEM((NODE_PW,), jnp.int32),
            pltpu.VMEM((SC_CH, NODE_DIM), f32),
            pltpu.VMEM((SC_CH, NODE_DIM), f32),
            pltpu.SemaphoreType.DMA,
            pltpu.SemaphoreType.DMA,
        ],
    )(combined, node_idx)

    ew_rows = pl.kernel(
        _sc_edge_body,
        out_type=jax.ShapeDtypeStruct((EW_TOT, EDGE_DIM), f32),
        mesh=mesh,
        compiler_params=pltpu.CompilerParams(use_tc_tiling_on_sc=False),
        scratch_types=[
            pltpu.VMEM((EW_PW,), jnp.int32),
            pltpu.VMEM((EW_CH, EDGE_DIM), f32),
            pltpu.VMEM((EW_CH, EDGE_DIM), f32),
            pltpu.SemaphoreType.DMA,
            pltpu.SemaphoreType.DMA,
        ],
    )(edge_features, ew_idx)

    ts_col = timestamps.reshape(B, 1).astype(f32)
    et2d = edge_times.astype(f32)
    mask2d = jnp.where(neighbors == 0, -1e9, 0.0).astype(f32)

    tw = time_w.reshape(1, TIME_DIM)
    tb = time_b.reshape(1, TIME_DIM)
    wq1 = Wq[:, :NODE_DIM].T
    wq2 = Wq[:, NODE_DIM:].T
    wk_t = Wk.T
    wv_t = Wv.T
    wk_hi = wk_t.astype(jnp.bfloat16).astype(f32)
    wk_lo = wk_t - wk_hi
    wv_hi = wv_t.astype(jnp.bfloat16).astype(f32)
    wv_lo = wv_t - wv_hi
    wo_t = Wo.T
    fc1a = fc1_w[:, :QDIM].T
    fc1b = fc1_w[:, QDIM:].T
    fc2t = fc2_w.T

    def full(a):
        a2 = a.reshape((1, -1)) if a.ndim == 1 else a
        return a2, pl.BlockSpec(a2.shape, lambda i: tuple(0 for _ in a2.shape))

    const_args = [tw, tb, wq1, wq2, bq, wk_hi, wk_lo, bk, wv_hi, wv_lo, bv,
                  wo_t, bo, fc1a, fc1b, fc1_b, fc2t, fc2_b]
    const_vals, const_specs = zip(*[full(a) for a in const_args])

    out = pl.pallas_call(
        _attn_body,
        out_shape=jax.ShapeDtypeStruct((B, NODE_DIM), f32),
        grid=(NBLK,),
        in_specs=[
            pl.BlockSpec((NRB, NODE_DIM), lambda i: (i, 0)),
            pl.BlockSpec((RB, NODE_DIM), lambda i: (B * NBR // RB + i, 0)),
            pl.BlockSpec((NRB, EDGE_DIM), lambda i: (i, 0)),
            pl.BlockSpec((RB, NBR), lambda i: (i, 0)),
            pl.BlockSpec((RB, 1), lambda i: (i, 0)),
            pl.BlockSpec((RB, NBR), lambda i: (i, 0)),
        ] + list(const_specs),
        out_specs=pl.BlockSpec((RB, NODE_DIM), lambda i: (i, 0)),
    )(node_rows, node_rows, ew_rows, et2d, ts_col, mask2d,
      *const_vals)
    return out

# --- scband reference (transcript-rebuilt; emitter-appended) ---
"""Pipeline reference for scband-graph-attention-embedding-44616120271327 (READ-ONLY COPY).

The authoritative reference and input builder live on the scoring server;
editing this copy changes nothing except your own understanding.
"""

import jax, jax.numpy as jnp
import numpy as np

N_NODES = 100000
N_EDGES = 1600000
B = 10000
NBR = 20
NODE_DIM = 128
EDGE_DIM = 16
TIME_DIM = 16
EMBED_DIM = 128
N_HEADS = 2
QDIM = NODE_DIM + TIME_DIM
KDIM = NODE_DIM + TIME_DIM + EDGE_DIM


def _time_encode(t, w, b):
    # TGN TimeEncode: cos(Linear(1 -> time_dim)(t)); t [...,L] -> [...,L,time_dim]
    return jnp.cos(t[..., None] * w[0] + b)


def setup_inputs(seed: int = 0) -> dict:
    key = jax.random.key(seed)
    ks = jax.random.split(key, 20)
    s = 0.05
    memory = jax.random.normal(ks[0], (N_NODES, NODE_DIM), dtype=jnp.float32)
    node_features = jax.random.normal(ks[1], (N_NODES, NODE_DIM), dtype=jnp.float32)
    edge_features = jax.random.normal(ks[2], (N_EDGES, EDGE_DIM), dtype=jnp.float32)
    src_nodes = jax.random.randint(ks[3], (B,), 0, N_NODES)
    timestamps = jax.random.uniform(ks[4], (B,), dtype=jnp.float32) * 1000.0
    neighbors = jax.random.randint(ks[5], (B, NBR), 0, N_NODES)
    edge_idxs = jax.random.randint(ks[6], (B, NBR), 0, N_EDGES)
    edge_times = jax.random.uniform(ks[7], (B, NBR), dtype=jnp.float32) * 1000.0
    time_w = jax.random.normal(ks[8], (1, TIME_DIM), dtype=jnp.float32)
    time_b = jax.random.normal(ks[9], (TIME_DIM,), dtype=jnp.float32)
    Wq = jax.random.normal(ks[10], (QDIM, QDIM), dtype=jnp.float32) * s
    bq = jnp.zeros((QDIM,), jnp.float32)
    Wk = jax.random.normal(ks[11], (QDIM, KDIM), dtype=jnp.float32) * s
    bk = jnp.zeros((QDIM,), jnp.float32)
    Wv = jax.random.normal(ks[12], (QDIM, KDIM), dtype=jnp.float32) * s
    bv = jnp.zeros((QDIM,), jnp.float32)
    Wo = jax.random.normal(ks[13], (QDIM, QDIM), dtype=jnp.float32) * s
    bo = jnp.zeros((QDIM,), jnp.float32)
    fc1_w = jax.random.normal(ks[14], (NODE_DIM, QDIM + NODE_DIM), dtype=jnp.float32) * s
    fc1_b = jnp.zeros((NODE_DIM,), jnp.float32)
    fc2_w = jax.random.normal(ks[15], (EMBED_DIM, NODE_DIM), dtype=jnp.float32) * s
    fc2_b = jnp.zeros((EMBED_DIM,), jnp.float32)
    return {
        'memory': memory, 'node_features': node_features, 'edge_features': edge_features,
        'timestamps': timestamps, 'edge_times': edge_times,
        'time_w': time_w, 'time_b': time_b,
        'Wq': Wq, 'bq': bq, 'Wk': Wk, 'bk': bk, 'Wv': Wv, 'bv': bv, 'Wo': Wo, 'bo': bo,
        'fc1_w': fc1_w, 'fc1_b': fc1_b, 'fc2_w': fc2_w, 'fc2_b': fc2_b,
        'src_nodes': src_nodes, 'neighbors': neighbors, 'edge_idxs': edge_idxs,
    }


def reference(memory, node_features, edge_features, timestamps, edge_times,
              time_w, time_b, Wq, bq, Wk, bk, Wv, bv, Wo, bo,
              fc1_w, fc1_b, fc2_w, fc2_b, src_nodes, neighbors, edge_idxs):
    b = src_nodes.shape[0]
    # layer-0 embedding: memory state + static node features (gather)
    src_feat = memory[src_nodes] + node_features[src_nodes]
    src_time = _time_encode(jnp.zeros((b, 1), jnp.float32), time_w, time_b)
    flat_nbr = neighbors.reshape(-1)
    nbr_emb = (memory[flat_nbr] + node_features[flat_nbr]).reshape(b, NBR, NODE_DIM)
    deltas = timestamps[:, None] - edge_times
    edge_time = _time_encode(deltas, time_w, time_b)
    e_feat = edge_features[edge_idxs]
    mask = neighbors == 0
    # TemporalAttention: query = [src_feat || src_time], key/value = [nbr_emb || edge_time || edge_feat]
    query = jnp.concatenate([src_feat[:, None, :], src_time], axis=2)
    keyk = jnp.concatenate([nbr_emb, edge_time, e_feat], axis=2)
    q = query @ Wq.T + bq
    k = keyk @ Wk.T + bk
    v = keyk @ Wv.T + bv
    dh = QDIM // N_HEADS
    qh = q.reshape(b, 1, N_HEADS, dh).transpose(0, 2, 1, 3)
    kh = k.reshape(b, NBR, N_HEADS, dh).transpose(0, 2, 1, 3)
    vh = v.reshape(b, NBR, N_HEADS, dh).transpose(0, 2, 1, 3)
    scores = jnp.einsum('bhqd,bhkd->bhqk', qh, kh) / (dh ** 0.5)
    scores = jnp.where(mask[:, None, None, :], -1e9, scores)
    attn = jax.nn.softmax(scores, axis=-1)
    out = jnp.einsum('bhqk,bhkd->bhqd', attn, vh).transpose(0, 2, 1, 3).reshape(b, QDIM)
    out = out @ Wo.T + bo
    fully_masked = jnp.all(mask, axis=1)
    out = jnp.where(fully_masked[:, None], 0.0, out)
    # MergeLayer: fc2(relu(fc1([attn_out || src_feat])))
    h = jax.nn.relu(jnp.concatenate([out, src_feat], axis=1) @ fc1_w.T + fc1_b)
    return h @ fc2_w.T + fc2_b

if __name__ == "__main__":
    import jax
    _d = setup_inputs()
    print(jax.jit(kernel)(*tuple(_d.values())))

</pallas_src>

<mosaic_0001>
#map = affine_map<(d0, d1) -> (0, 0)>
#map1 = affine_map<(d0, d1) -> (0)>
module attributes {stable_mosaic.version = 14 : i64} {
  func.func @body(%arg0: i32, %arg1: i32, %arg2: memref<100000x128xf32, #tpu.memory_space<hbm>>, %arg3: memref<215040xi32, #tpu.memory_space<hbm>>, %arg4: memref<215040x128xf32, #tpu.memory_space<hbm>>, %arg5: memref<13440xi32, #tpu.memory_space<vmem>>, %arg6: memref<320x128xf32, #tpu.memory_space<vmem>>, %arg7: memref<320x128xf32, #tpu.memory_space<vmem>>, %arg8: memref<!tpu.dma_semaphore, #tpu.memory_space<semaphore_mem>>, %arg9: memref<!tpu.dma_semaphore, #tpu.memory_space<semaphore_mem>>) attributes {dimension_semantics = [#tpu.dimension_semantics<core_parallel>, #tpu.dimension_semantics<subcore_parallel>], iteration_bounds = array<i64: 1, 16>, scalar_prefetch = 0 : i64, scratch_operands = 5 : i64, tpu.core_type = #tpu.core_type<sc_vector_subcore>, window_params = [{transform_indices = #map}, {transform_indices = #map1}, {transform_indices = #map}]} {
    %mul3A = arith.constant 13440 : i32
    %mul3A_0 = arith.muli %arg1, %mul3A : i32
    "tpu.region"() ({
      %run_scoped3A = tpu.sem_alloc : memref<!tpu.dma_semaphore, #tpu.memory_space<semaphore_mem>>
      %dma_start3A_14 = tpu.memref_slice %arg3[%mul3A_0] : memref<215040xi32, #tpu.memory_space<hbm>> -> memref<13440xi32, #tpu.memory_space<hbm>>
      %dma_start3A_15 = tpu.memref_slice %arg3[%mul3A_0] : memref<215040xi32, #tpu.memory_space<hbm>> -> memref<13440xi32, #tpu.memory_space<hbm>>
      tpu.enqueue_dma source(%dma_start3A_15 : memref<13440xi32, #tpu.memory_space<hbm>>) target(%arg5 : memref<13440xi32, #tpu.memory_space<vmem>>) target_semaphore(%run_scoped3A : memref<!tpu.dma_semaphore, #tpu.memory_space<semaphore_mem>>)
      %dma_wait3A = tpu.memref_slice %arg3[%mul3A_0] : memref<215040xi32, #tpu.memory_space<hbm>> -> memref<13440xi32, #tpu.memory_space<hbm>>
      %dma_wait3A_16 = tpu.memref_slice %arg3[%mul3A_0] : memref<215040xi32, #tpu.memory_space<hbm>> -> memref<13440xi32, #tpu.memory_space<hbm>>
      tpu.wait_dma2 semaphore(%run_scoped3A : memref<!tpu.dma_semaphore, #tpu.memory_space<semaphore_mem>>) src(%dma_wait3A_16 : memref<13440xi32, #tpu.memory_space<hbm>>) dst(%arg5 : memref<13440xi32, #tpu.memory_space<vmem>>)
      tpu.yield
    }) : () -> ()
    %dma_start3A = arith.constant 0 : i32
    %dma_start3A_1 = tpu.memref_slice %arg5[%dma_start3A] : memref<13440xi32, #tpu.memory_space<vmem>> -> memref<320xi32, #tpu.memory_space<vmem>>
    %dma_start3A_2 = arith.constant 0 : i32
    %dma_start3A_3 = arith.constant 0 : i32
    %dma_start3A_4 = tpu.memref_slice %arg2[%dma_start3A_2, %dma_start3A_3] : memref<100000x128xf32, #tpu.memory_space<hbm>> -> memref<100000x128xf32, #tpu.memory_space<hbm>>
    tpu.enqueue_indirect_dma source(%dma_start3A_4 : memref<100000x128xf32, #tpu.memory_space<hbm>>) target(%arg6 : memref<320x128xf32, #tpu.memory_space<vmem>>) offsets(%dma_start3A_1 : memref<320xi32, #tpu.memory_space<vmem>>) semaphore(%arg8 : memref<!tpu.dma_semaphore, #tpu.memory_space<semaphore_mem>>)
    %dma_start3A_5 = arith.constant 320 : i32
    %dma_start3A_6 = tpu.memref_slice %arg5[%dma_start3A_5] : memref<13440xi32, #tpu.memory_space<vmem>> -> memref<320xi32, #tpu.memory_space<vmem>>
    %dma_start3A_7 = arith.constant 0 : i32
    %dma_start3A_8 = arith.constant 0 : i32
    %dma_start3A_9 = tpu.memref_slice %arg2[%dma_start3A_7, %dma_start3A_8] : memref<100000x128xf32, #tpu.memory_space<hbm>> -> memref<100000x128xf32, #tpu.memory_space<hbm>>
    tpu.enqueue_indirect_dma source(%dma_start3A_9 : memref<100000x128xf32, #tpu.memory_space<hbm>>) target(%arg7 : memref<320x128xf32, #tpu.memory_space<vmem>>) offsets(%dma_start3A_6 : memref<320xi32, #tpu.memory_space<vmem>>) semaphore(%arg9 : memref<!tpu.dma_semaphore, #tpu.memory_space<semaphore_mem>>)
    %scan3A = arith.constant 0 : i32
    %scan3A_10 = arith.constant 21 : i32
    %scan3A_11 = arith.addi %scan3A, %scan3A_10 : i32
    %scan3A_12 = arith.constant 1 : i32
    scf.for %scan3A_14 = %scan3A to %scan3A_11 step %scan3A_12  : i32 {
      %mul3A_15 = arith.constant 2 : i32
      %mul3A_16 = arith.muli %scan3A_14, %mul3A_15 : i32
      %add3A = arith.constant 0 : i32
      %add3A_17 = arith.addi %add3A, %mul3A_16 : i32
      %add3A_18 = arith.constant 0 : i32
      %add3A_19 = arith.addi %add3A_17, %add3A_18 : i32
      %dma_wait3A = arith.constant 0 : i32
      %dma_wait3A_20 = arith.constant 0 : i32
      %dma_wait3A_21 = tpu.memref_slice %arg2[%dma_wait3A, %dma_wait3A_20] : memref<100000x128xf32, #tpu.memory_space<hbm>> -> memref<320x128xf32, #tpu.memory_space<hbm>>
      %dma_wait3A_22 = arith.constant 0 : i32
      %dma_wait3A_23 = arith.constant 0 : i32
      %dma_wait3A_24 = tpu.memref_slice %arg2[%dma_wait3A_22, %dma_wait3A_23] : memref<100000x128xf32, #tpu.memory_space<hbm>> -> memref<320x128xf32, #tpu.memory_space<hbm>>
      tpu.wait_dma2 semaphore(%arg8 : memref<!tpu.dma_semaphore, #tpu.memory_space<semaphore_mem>>) src(%dma_wait3A_24 : memref<320x128xf32, #tpu.memory_space<hbm>>) dst(%arg6 : memref<320x128xf32, #tpu.memory_space<vmem>>)
      %mul3A_25 = arith.constant 320 : i32
      %mul3A_26 = arith.muli %add3A_19, %mul3A_25 : i32
      %add3A_27 = arith.addi %mul3A_0, %mul3A_26 : i32
      "tpu.region"() ({
        %run_scoped3A = tpu.sem_alloc : memref<!tpu.dma_semaphore, #tpu.memory_space<semaphore_mem>>
        %dma_start3A_50 = arith.constant 0 : i32
        %dma_start3A_51 = tpu.memref_slice %arg4[%add3A_27, %dma_start3A_50] : memref<215040x128xf32, #tpu.memory_space<hbm>> -> memref<320x128xf32, #tpu.memory_space<hbm>>
        %dma_start3A_52 = arith.constant 0 : i32
        %dma_start3A_53 = tpu.memref_slice %arg4[%add3A_27, %dma_start3A_52] : memref<215040x128xf32, #tpu.memory_space<hbm>> -> memref<320x128xf32, #tpu.memory_space<hbm>>
        tpu.enqueue_dma source(%arg6 : memref<320x128xf32, #tpu.memory_space<vmem>>) target(%dma_start3A_53 : memref<320x128xf32, #tpu.memory_space<hbm>>) target_semaphore(%run_scoped3A : memref<!tpu.dma_semaphore, #tpu.memory_space<semaphore_mem>>)
        %dma_wait3A_54 = arith.constant 0 : i32
        %dma_wait3A_55 = tpu.memref_slice %arg4[%add3A_27, %dma_wait3A_54] : memref<215040x128xf32, #tpu.memory_space<hbm>> -> memref<320x128xf32, #tpu.memory_space<hbm>>
        %dma_wait3A_56 = arith.constant 0 : i32
        %dma_wait3A_57 = tpu.memref_slice %arg4[%add3A_27, %dma_wait3A_56] : memref<215040x128xf32, #tpu.memory_space<hbm>> -> memref<320x128xf32, #tpu.memory_space<hbm>>
        tpu.wait_dma2 semaphore(%run_scoped3A : memref<!tpu.dma_semaphore, #tpu.memory_space<semaphore_mem>>) src(%arg6 : memref<320x128xf32, #tpu.memory_space<vmem>>) dst(%dma_wait3A_57 : memref<320x128xf32, #tpu.memory_space<hbm>>)
        tpu.yield
      }) : () -> ()
      %add3A_28 = arith.constant 2 : i32
      %add3A_29 = arith.addi %add3A_19, %add3A_28 : i32
      %lt3A = arith.constant 42 : i32
      %lt3A_30 = arith.cmpi slt, %add3A_29, %lt3A : i32
      %convert_element_type3A = arith.extui %lt3A_30 : i1 to i32
      %cond3A = arith.constant 0 : i32
      %cond3A_31 = arith.cmpi ne, %convert_element_type3A, %cond3A : i32
      scf.if %cond3A_31 {
        %add3A_50 = arith.constant 2 : i32
        %add3A_51 = arith.addi %add3A_19, %add3A_50 : i32
        %mul3A_52 = arith.constant 320 : i32
        %mul3A_53 = arith.muli %add3A_51, %mul3A_52 : i32
        %dma_start3A_54 = tpu.memref_slice %arg5[%mul3A_53] : memref<13440xi32, #tpu.memory_space<vmem>> -> memref<320xi32, #tpu.memory_space<vmem>>
        %dma_start3A_55 = arith.constant 0 : i32
        %dma_start3A_56 = arith.constant 0 : i32
        %dma_start3A_57 = tpu.memref_slice %arg2[%dma_start3A_55, %dma_start3A_56] : memref<100000x128xf32, #tpu.memory_space<hbm>> -> memref<100000x128xf32, #tpu.memory_space<hbm>>
        tpu.enqueue_indirect_dma source(%dma_start3A_57 : memref<100000x128xf32, #tpu.memory_space<hbm>>) target(%arg6 : memref<320x128xf32, #tpu.memory_space<vmem>>) offsets(%dma_start3A_54 : memref<320xi32, #tpu.memory_space<vmem>>) semaphore(%arg8 : memref<!tpu.dma_semaphore, #tpu.memory_space<semaphore_mem>>)
      } else {
      }
      %add3A_32 = arith.constant 1 : i32
      %add3A_33 = arith.addi %add3A_17, %add3A_32 : i32
      %dma_wait3A_34 = arith.constant 0 : i32
      %dma_wait3A_35 = arith.constant 0 : i32
      %dma_wait3A_36 = tpu.memref_slice %arg2[%dma_wait3A_34, %dma_wait3A_35] : memref<100000x128xf32, #tpu.memory_space<hbm>> -> memref<320x128xf32, #tpu.memory_space<hbm>>
      %dma_wait3A_37 = arith.constant 0 : i32
      %dma_wait3A_38 = arith.constant 0 : i32
      %dma_wait3A_39 = tpu.memref_slice %arg2[%dma_wait3A_37, %dma_wait3A_38] : memref<100000x128xf32, #tpu.memory_space<hbm>> -> memref<320x128xf32, #tpu.memory_space<hbm>>
      tpu.wait_dma2 semaphore(%arg9 : memref<!tpu.dma_semaphore, #tpu.memory_space<semaphore_mem>>) src(%dma_wait3A_39 : memref<320x128xf32, #tpu.memory_space<hbm>>) dst(%arg7 : memref<320x128xf32, #tpu.memory_space<vmem>>)
      %mul3A_40 = arith.constant 320 : i32
      %mul3A_41 = arith.muli %add3A_33, %mul3A_40 : i32
      %add3A_42 = arith.addi %mul3A_0, %mul3A_41 : i32
      "tpu.region"() ({
        %run_scoped3A = tpu.sem_alloc : memref<!tpu.dma_semaphore, #tpu.memory_space<semaphore_mem>>
        %dma_start3A_50 = arith.constant 0 : i32
        %dma_start3A_51 = tpu.memref_slice %arg4[%add3A_42, %dma_start3A_50] : memref<215040x128xf32, #tpu.memory_space<hbm>> -> memref<320x128xf32, #tpu.memory_space<hbm>>
        %dma_start3A_52 = arith.constant 0 : i32
        %dma_start3A_53 = tpu.memref_slice %arg4[%add3A_42, %dma_start3A_52] : memref<215040x128xf32, #tpu.memory_space<hbm>> -> memref<320x128xf32, #tpu.memory_space<hbm>>
        tpu.enqueue_dma source(%arg7 : memref<320x128xf32, #tpu.memory_space<vmem>>) target(%dma_start3A_53 : memref<320x128xf32, #tpu.memory_space<hbm>>) target_semaphore(%run_scoped3A : memref<!tpu.dma_semaphore, #tpu.memory_space<semaphore_mem>>)
        %dma_wait3A_54 = arith.constant 0 : i32
        %dma_wait3A_55 = tpu.memref_slice %arg4[%add3A_42, %dma_wait3A_54] : memref<215040x128xf32, #tpu.memory_space<hbm>> -> memref<320x128xf32, #tpu.memory_space<hbm>>
        %dma_wait3A_56 = arith.constant 0 : i32
        %dma_wait3A_57 = tpu.memref_slice %arg4[%add3A_42, %dma_wait3A_56] : memref<215040x128xf32, #tpu.memory_space<hbm>> -> memref<320x128xf32, #tpu.memory_space<hbm>>
        tpu.wait_dma2 semaphore(%run_scoped3A : memref<!tpu.dma_semaphore, #tpu.memory_space<semaphore_mem>>) src(%arg7 : memref<320x128xf32, #tpu.memory_space<vmem>>) dst(%dma_wait3A_57 : memref<320x128xf32, #tpu.memory_space<hbm>>)
        tpu.yield
      }) : () -> ()
      %add3A_43 = arith.constant 2 : i32
      %add3A_44 = arith.addi %add3A_33, %add3A_43 : i32
      %lt3A_45 = arith.constant 42 : i32
      %lt3A_46 = arith.cmpi slt, %add3A_44, %lt3A_45 : i32
      %convert_element_type3A_47 = arith.extui %lt3A_46 : i1 to i32
      %cond3A_48 = arith.constant 0 : i32
      %cond3A_49 = arith.cmpi ne, %convert_element_type3A_47, %cond3A_48 : i32
      scf.if %cond3A_49 {
        %add3A_50 = arith.constant 2 : i32
        %add3A_51 = arith.addi %add3A_33, %add3A_50 : i32
        %mul3A_52 = arith.constant 320 : i32
        %mul3A_53 = arith.muli %add3A_51, %mul3A_52 : i32
        %dma_start3A_54 = tpu.memref_slice %arg5[%mul3A_53] : memref<13440xi32, #tpu.memory_space<vmem>> -> memref<320xi32, #tpu.memory_space<vmem>>
        %dma_start3A_55 = arith.constant 0 : i32
        %dma_start3A_56 = arith.constant 0 : i32
        %dma_start3A_57 = tpu.memref_slice %arg2[%dma_start3A_55, %dma_start3A_56] : memref<100000x128xf32, #tpu.memory_space<hbm>> -> memref<100000x128xf32, #tpu.memory_space<hbm>>
        tpu.enqueue_indirect_dma source(%dma_start3A_57 : memref<100000x128xf32, #tpu.memory_space<hbm>>) target(%arg7 : memref<320x128xf32, #tpu.memory_space<vmem>>) offsets(%dma_start3A_54 : memref<320xi32, #tpu.memory_space<vmem>>) semaphore(%arg9 : memref<!tpu.dma_semaphore, #tpu.memory_space<semaphore_mem>>)
      } else {
      }
    }
    %scan3A_13 = arith.constant 21 : i32
    return
  }
}

#map = affine_map<(d0, d1) -> (0, 0)>
#map1 = affine_map<(d0, d1) -> (0)>
module attributes {stable_mosaic.version = 14 : i64} {
  func.func @body(%arg0: i32, %arg1: i32, %arg2: memref<1600000x16xf32, #tpu.memory_space<hbm>>, %arg3: memref<204800xi32, #tpu.memory_space<hbm>>, %arg4: memref<204800x16xf32, #tpu.memory_space<hbm>>, %arg5: memref<12800xi32, #tpu.memory_space<vmem>>, %arg6: memref<1600x16xf32, #tpu.memory_space<vmem>>, %arg7: memref<1600x16xf32, #tpu.memory_space<vmem>>, %arg8: memref<!tpu.dma_semaphore, #tpu.memory_space<semaphore_mem>>, %arg9: memref<!tpu.dma_semaphore, #tpu.memory_space<semaphore_mem>>) attributes {dimension_semantics = [#tpu.dimension_semantics<core_parallel>, #tpu.dimension_semantics<subcore_parallel>], iteration_bounds = array<i64: 1, 16>, scalar_prefetch = 0 : i64, scratch_operands = 5 : i64, tpu.core_type = #tpu.core_type<sc_vector_subcore>, window_params = [{transform_indices = #map}, {transform_indices = #map1}, {transform_indices = #map}]} {
    %mul3A = arith.constant 12800 : i32
    %mul3A_0 = arith.muli %arg1, %mul3A : i32
    "tpu.region"() ({
      %run_scoped3A = tpu.sem_alloc : memref<!tpu.dma_semaphore, #tpu.memory_space<semaphore_mem>>
      %dma_start3A_14 = tpu.memref_slice %arg3[%mul3A_0] : memref<204800xi32, #tpu.memory_space<hbm>> -> memref<12800xi32, #tpu.memory_space<hbm>>
      %dma_start3A_15 = tpu.memref_slice %arg3[%mul3A_0] : memref<204800xi32, #tpu.memory_space<hbm>> -> memref<12800xi32, #tpu.memory_space<hbm>>
      tpu.enqueue_dma source(%dma_start3A_15 : memref<12800xi32, #tpu.memory_space<hbm>>) target(%arg5 : memref<12800xi32, #tpu.memory_space<vmem>>) target_semaphore(%run_scoped3A : memref<!tpu.dma_semaphore, #tpu.memory_space<semaphore_mem>>)
      %dma_wait3A = tpu.memref_slice %arg3[%mul3A_0] : memref<204800xi32, #tpu.memory_space<hbm>> -> memref<12800xi32, #tpu.memory_space<hbm>>
      %dma_wait3A_16 = tpu.memref_slice %arg3[%mul3A_0] : memref<204800xi32, #tpu.memory_space<hbm>> -> memref<12800xi32, #tpu.memory_space<hbm>>
      tpu.wait_dma2 semaphore(%run_scoped3A : memref<!tpu.dma_semaphore, #tpu.memory_space<semaphore_mem>>) src(%dma_wait3A_16 : memref<12800xi32, #tpu.memory_space<hbm>>) dst(%arg5 : memref<12800xi32, #tpu.memory_space<vmem>>)
      tpu.yield
    }) : () -> ()
    %dma_start3A = arith.constant 0 : i32
    %dma_start3A_1 = tpu.memref_slice %arg5[%dma_start3A] : memref<12800xi32, #tpu.memory_space<vmem>> -> memref<1600xi32, #tpu.memory_space<vmem>>
    %dma_start3A_2 = arith.constant 0 : i32
    %dma_start3A_3 = arith.constant 0 : i32
    %dma_start3A_4 = tpu.memref_slice %arg2[%dma_start3A_2, %dma_start3A_3] : memref<1600000x16xf32, #tpu.memory_space<hbm>> -> memref<1600000x16xf32, #tpu.memory_space<hbm>>
    tpu.enqueue_indirect_dma source(%dma_start3A_4 : memref<1600000x16xf32, #tpu.memory_space<hbm>>) target(%arg6 : memref<1600x16xf32, #tpu.memory_space<vmem>>) offsets(%dma_start3A_1 : memref<1600xi32, #tpu.memory_space<vmem>>) semaphore(%arg8 : memref<!tpu.dma_semaphore, #tpu.memory_space<semaphore_mem>>)
    %dma_start3A_5 = arith.constant 1600 : i32
    %dma_start3A_6 = tpu.memref_slice %arg5[%dma_start3A_5] : memref<12800xi32, #tpu.memory_space<vmem>> -> memref<1600xi32, #tpu.memory_space<vmem>>
    %dma_start3A_7 = arith.constant 0 : i32
    %dma_start3A_8 = arith.constant 0 : i32
    %dma_start3A_9 = tpu.memref_slice %arg2[%dma_start3A_7, %dma_start3A_8] : memref<1600000x16xf32, #tpu.memory_space<hbm>> -> memref<1600000x16xf32, #tpu.memory_space<hbm>>
    tpu.enqueue_indirect_dma source(%dma_start3A_9 : memref<1600000x16xf32, #tpu.memory_space<hbm>>) target(%arg7 : memref<1600x16xf32, #tpu.memory_space<vmem>>) offsets(%dma_start3A_6 : memref<1600xi32, #tpu.memory_space<vmem>>) semaphore(%arg9 : memref<!tpu.dma_semaphore, #tpu.memory_space<semaphore_mem>>)
    %scan3A = arith.constant 0 : i32
    %scan3A_10 = arith.constant 4 : i32
    %scan3A_11 = arith.addi %scan3A, %scan3A_10 : i32
    %scan3A_12 = arith.constant 1 : i32
    scf.for %scan3A_14 = %scan3A to %scan3A_11 step %scan3A_12  : i32 {
      %mul3A_15 = arith.constant 2 : i32
      %mul3A_16 = arith.muli %scan3A_14, %mul3A_15 : i32
      %add3A = arith.constant 0 : i32
      %add3A_17 = arith.addi %add3A, %mul3A_16 : i32
      %add3A_18 = arith.constant 0 : i32
      %add3A_19 = arith.addi %add3A_17, %add3A_18 : i32
      %dma_wait3A = arith.constant 0 : i32
      %dma_wait3A_20 = arith.constant 0 : i32
      %dma_wait3A_21 = tpu.memref_slice %arg2[%dma_wait3A, %dma_wait3A_20] : memref<1600000x16xf32, #tpu.memory_space<hbm>> -> memref<1600x16xf32, #tpu.memory_space<hbm>>
      %dma_wait3A_22 = arith.constant 0 : i32
      %dma_wait3A_23 = arith.constant 0 : i32
      %dma_wait3A_24 = tpu.memref_slice %arg2[%dma_wait3A_22, %dma_wait3A_23] : memref<1600000x16xf32, #tpu.memory_space<hbm>> -> memref<1600x16xf32, #tpu.memory_space<hbm>>
      tpu.wait_dma2 semaphore(%arg8 : memref<!tpu.dma_semaphore, #tpu.memory_space<semaphore_mem>>) src(%dma_wait3A_24 : memref<1600x16xf32, #tpu.memory_space<hbm>>) dst(%arg6 : memref<1600x16xf32, #tpu.memory_space<vmem>>)
      %mul3A_25 = arith.constant 1600 : i32
      %mul3A_26 = arith.muli %add3A_19, %mul3A_25 : i32
      %add3A_27 = arith.addi %mul3A_0, %mul3A_26 : i32
      "tpu.region"() ({
        %run_scoped3A = tpu.sem_alloc : memref<!tpu.dma_semaphore, #tpu.memory_space<semaphore_mem>>
        %dma_start3A_50 = arith.constant 0 : i32
        %dma_start3A_51 = tpu.memref_slice %arg4[%add3A_27, %dma_start3A_50] : memref<204800x16xf32, #tpu.memory_space<hbm>> -> memref<1600x16xf32, #tpu.memory_space<hbm>>
        %dma_start3A_52 = arith.constant 0 : i32
        %dma_start3A_53 = tpu.memref_slice %arg4[%add3A_27, %dma_start3A_52] : memref<204800x16xf32, #tpu.memory_space<hbm>> -> memref<1600x16xf32, #tpu.memory_space<hbm>>
        tpu.enqueue_dma source(%arg6 : memref<1600x16xf32, #tpu.memory_space<vmem>>) target(%dma_start3A_53 : memref<1600x16xf32, #tpu.memory_space<hbm>>) target_semaphore(%run_scoped3A : memref<!tpu.dma_semaphore, #tpu.memory_space<semaphore_mem>>)
        %dma_wait3A_54 = arith.constant 0 : i32
        %dma_wait3A_55 = tpu.memref_slice %arg4[%add3A_27, %dma_wait3A_54] : memref<204800x16xf32, #tpu.memory_space<hbm>> -> memref<1600x16xf32, #tpu.memory_space<hbm>>
        %dma_wait3A_56 = arith.constant 0 : i32
        %dma_wait3A_57 = tpu.memref_slice %arg4[%add3A_27, %dma_wait3A_56] : memref<204800x16xf32, #tpu.memory_space<hbm>> -> memref<1600x16xf32, #tpu.memory_space<hbm>>
        tpu.wait_dma2 semaphore(%run_scoped3A : memref<!tpu.dma_semaphore, #tpu.memory_space<semaphore_mem>>) src(%arg6 : memref<1600x16xf32, #tpu.memory_space<vmem>>) dst(%dma_wait3A_57 : memref<1600x16xf32, #tpu.memory_space<hbm>>)
        tpu.yield
      }) : () -> ()
      %add3A_28 = arith.constant 2 : i32
      %add3A_29 = arith.addi %add3A_19, %add3A_28 : i32
      %lt3A = arith.constant 8 : i32
      %lt3A_30 = arith.cmpi slt, %add3A_29, %lt3A : i32
      %convert_element_type3A = arith.extui %lt3A_30 : i1 to i32
      %cond3A = arith.constant 0 : i32
      %cond3A_31 = arith.cmpi ne, %convert_element_type3A, %cond3A : i32
      scf.if %cond3A_31 {
        %add3A_50 = arith.constant 2 : i32
        %add3A_51 = arith.addi %add3A_19, %add3A_50 : i32
        %mul3A_52 = arith.constant 1600 : i32
        %mul3A_53 = arith.muli %add3A_51, %mul3A_52 : i32
        %dma_start3A_54 = tpu.memref_slice %arg5[%mul3A_53] : memref<12800xi32, #tpu.memory_space<vmem>> -> memref<1600xi32, #tpu.memory_space<vmem>>
        %dma_start3A_55 = arith.constant 0 : i32
        %dma_start3A_56 = arith.constant 0 : i32
        %dma_start3A_57 = tpu.memref_slice %arg2[%dma_start3A_55, %dma_start3A_56] : memref<1600000x16xf32, #tpu.memory_space<hbm>> -> memref<1600000x16xf32, #tpu.memory_space<hbm>>
        tpu.enqueue_indirect_dma source(%dma_start3A_57 : memref<1600000x16xf32, #tpu.memory_space<hbm>>) target(%arg6 : memref<1600x16xf32, #tpu.memory_space<vmem>>) offsets(%dma_start3A_54 : memref<1600xi32, #tpu.memory_space<vmem>>) semaphore(%arg8 : memref<!tpu.dma_semaphore, #tpu.memory_space<semaphore_mem>>)
      } else {
      }
      %add3A_32 = arith.constant 1 : i32
      %add3A_33 = arith.addi %add3A_17, %add3A_32 : i32
      %dma_wait3A_34 = arith.constant 0 : i32
      %dma_wait3A_35 = arith.constant 0 : i32
      %dma_wait3A_36 = tpu.memref_slice %arg2[%dma_wait3A_34, %dma_wait3A_35] : memref<1600000x16xf32, #tpu.memory_space<hbm>> -> memref<1600x16xf32, #tpu.memory_space<hbm>>
      %dma_wait3A_37 = arith.constant 0 : i32
      %dma_wait3A_38 = arith.constant 0 : i32
      %dma_wait3A_39 = tpu.memref_slice %arg2[%dma_wait3A_37, %dma_wait3A_38] : memref<1600000x16xf32, #tpu.memory_space<hbm>> -> memref<1600x16xf32, #tpu.memory_space<hbm>>
      tpu.wait_dma2 semaphore(%arg9 : memref<!tpu.dma_semaphore, #tpu.memory_space<semaphore_mem>>) src(%dma_wait3A_39 : memref<1600x16xf32, #tpu.memory_space<hbm>>) dst(%arg7 : memref<1600x16xf32, #tpu.memory_space<vmem>>)
      %mul3A_40 = arith.constant 1600 : i32
      %mul3A_41 = arith.muli %add3A_33, %mul3A_40 : i32
      %add3A_42 = arith.addi %mul3A_0, %mul3A_41 : i32
      "tpu.region"() ({
        %run_scoped3A = tpu.sem_alloc : memref<!tpu.dma_semaphore, #tpu.memory_space<semaphore_mem>>
        %dma_start3A_50 = arith.constant 0 : i32
        %dma_start3A_51 = tpu.memref_slice %arg4[%add3A_42, %dma_start3A_50] : memref<204800x16xf32, #tpu.memory_space<hbm>> -> memref<1600x16xf32, #tpu.memory_space<hbm>>
        %dma_start3A_52 = arith.constant 0 : i32
        %dma_start3A_53 = tpu.memref_slice %arg4[%add3A_42, %dma_start3A_52] : memref<204800x16xf32, #tpu.memory_space<hbm>> -> memref<1600x16xf32, #tpu.memory_space<hbm>>
        tpu.enqueue_dma source(%arg7 : memref<1600x16xf32, #tpu.memory_space<vmem>>) target(%dma_start3A_53 : memref<1600x16xf32, #tpu.memory_space<hbm>>) target_semaphore(%run_scoped3A : memref<!tpu.dma_semaphore, #tpu.memory_space<semaphore_mem>>)
        %dma_wait3A_54 = arith.constant 0 : i32
        %dma_wait3A_55 = tpu.memref_slice %arg4[%add3A_42, %dma_wait3A_54] : memref<204800x16xf32, #tpu.memory_space<hbm>> -> memref<1600x16xf32, #tpu.memory_space<hbm>>
        %dma_wait3A_56 = arith.constant 0 : i32
        %dma_wait3A_57 = tpu.memref_slice %arg4[%add3A_42, %dma_wait3A_56] : memref<204800x16xf32, #tpu.memory_space<hbm>> -> memref<1600x16xf32, #tpu.memory_space<hbm>>
        tpu.wait_dma2 semaphore(%run_scoped3A : memref<!tpu.dma_semaphore, #tpu.memory_space<semaphore_mem>>) src(%arg7 : memref<1600x16xf32, #tpu.memory_space<vmem>>) dst(%dma_wait3A_57 : memref<1600x16xf32, #tpu.memory_space<hbm>>)
        tpu.yield
      }) : () -> ()
      %add3A_43 = arith.constant 2 : i32
      %add3A_44 = arith.addi %add3A_33, %add3A_43 : i32
      %lt3A_45 = arith.constant 8 : i32
      %lt3A_46 = arith.cmpi slt, %add3A_44, %lt3A_45 : i32
      %convert_element_type3A_47 = arith.extui %lt3A_46 : i1 to i32
      %cond3A_48 = arith.constant 0 : i32
      %cond3A_49 = arith.cmpi ne, %convert_element_type3A_47, %cond3A_48 : i32
      scf.if %cond3A_49 {
        %add3A_50 = arith.constant 2 : i32
        %add3A_51 = arith.addi %add3A_33, %add3A_50 : i32
        %mul3A_52 = arith.constant 1600 : i32
        %mul3A_53 = arith.muli %add3A_51, %mul3A_52 : i32
        %dma_start3A_54 = tpu.memref_slice %arg5[%mul3A_53] : memref<12800xi32, #tpu.memory_space<vmem>> -> memref<1600xi32, #tpu.memory_space<vmem>>
        %dma_start3A_55 = arith.constant 0 : i32
        %dma_start3A_56 = arith.constant 0 : i32
        %dma_start3A_57 = tpu.memref_slice %arg2[%dma_start3A_55, %dma_start3A_56] : memref<1600000x16xf32, #tpu.memory_space<hbm>> -> memref<1600000x16xf32, #tpu.memory_space<hbm>>
        tpu.enqueue_indirect_dma source(%dma_start3A_57 : memref<1600000x16xf32, #tpu.memory_space<hbm>>) target(%arg7 : memref<1600x16xf32, #tpu.memory_space<vmem>>) offsets(%dma_start3A_54 : memref<1600xi32, #tpu.memory_space<vmem>>) semaphore(%arg9 : memref<!tpu.dma_semaphore, #tpu.memory_space<semaphore_mem>>)
      } else {
      }
    }
    %scan3A_13 = arith.constant 4 : i32
    return
  }
}

module attributes {stable_mosaic.version = 14 : i64} {
  func.func @_combine_body(%arg0: i32, %arg1: memref<2000x128xf32, #tpu.memory_space<vmem>>, %arg2: memref<2000x128xf32, #tpu.memory_space<vmem>>, %arg3: memref<2000x128xf32, #tpu.memory_space<vmem>>) attributes {dimension_semantics = [#tpu.dimension_semantics<arbitrary>], iteration_bounds = array<i64: 50>, scalar_prefetch = 0 : i64, scratch_operands = 0 : i64, tpu.core_type = #tpu.core_type<tc>, window_params = [{transform_indices = @transform_0, window_bounds = array<i64: 2000, 128>}, {transform_indices = @transform_1, window_bounds = array<i64: 2000, 128>}, {transform_indices = @transform_2, window_bounds = array<i64: 2000, 128>}]} {
    %get3A = arith.constant 0 : index
    %get3A_0 = arith.constant 0 : index
    %get3A_1 = vector.load %arg1[%get3A, %get3A_0] : memref<2000x128xf32, #tpu.memory_space<vmem>>, vector<2000x128xf32>
    %get3A_2 = arith.constant 0 : index
    %get3A_3 = arith.constant 0 : index
    %get3A_4 = vector.load %arg2[%get3A_2, %get3A_3] : memref<2000x128xf32, #tpu.memory_space<vmem>>, vector<2000x128xf32>
    %add3A = arith.addf %get3A_1, %get3A_4 : vector<2000x128xf32>
    %swap3A = arith.constant 0 : index
    %swap3A_5 = arith.constant 0 : index
    %swap3A_6 = vector.load %arg3[%swap3A, %swap3A_5] : memref<2000x128xf32, #tpu.memory_space<vmem>>, vector<2000x128xf32>
    tpu.vector_store %arg3[%swap3A, %swap3A_5], %add3A {strides = array<i32>} : memref<2000x128xf32, #tpu.memory_space<vmem>>, vector<2000x128xf32>,
    return
  }
  func.func @transform_0(%arg0: i32) -> (i32, i32) {
    %c0_i32 = arith.constant 0 : i32
    %c0_i32_0 = arith.constant 0 : i32
    return %arg0, %c0_i32 : i32, i32
  }
  func.func @transform_1(%arg0: i32) -> (i32, i32) {
    %c0_i32 = arith.constant 0 : i32
    %c0_i32_0 = arith.constant 0 : i32
    return %arg0, %c0_i32 : i32, i32
  }
  func.func @transform_2(%arg0: i32) -> (i32, i32) {
    %c0_i32 = arith.constant 0 : i32
    %c0_i32_0 = arith.constant 0 : i32
    return %arg0, %c0_i32 : i32, i32
  }
}

module attributes {stable_mosaic.version = 14 : i64} {
  func.func @_attn_body(%arg0: i32, %arg1: memref<1600x128xf32, #tpu.memory_space<vmem>>, %arg2: memref<80x128xf32, #tpu.memory_space<vmem>>, %arg3: memref<1600x16xf32, #tpu.memory_space<vmem>>, %arg4: memref<80x20xf32, #tpu.memory_space<vmem>>, %arg5: memref<80x1xf32, #tpu.memory_space<vmem>>, %arg6: memref<80x20xf32, #tpu.memory_space<vmem>>, %arg7: memref<1x16xf32, #tpu.memory_space<vmem>>, %arg8: memref<1x16xf32, #tpu.memory_space<vmem>>, %arg9: memref<128x144xf32, #tpu.memory_space<vmem>>, %arg10: memref<16x144xf32, #tpu.memory_space<vmem>>, %arg11: memref<1x144xf32, #tpu.memory_space<vmem>>, %arg12: memref<160x144xf32, #tpu.memory_space<vmem>>, %arg13: memref<160x144xf32, #tpu.memory_space<vmem>>, %arg14: memref<1x144xf32, #tpu.memory_space<vmem>>, %arg15: memref<160x144xf32, #tpu.memory_space<vmem>>, %arg16: memref<160x144xf32, #tpu.memory_space<vmem>>, %arg17: memref<1x144xf32, #tpu.memory_space<vmem>>, %arg18: memref<144x144xf32, #tpu.memory_space<vmem>>, %arg19: memref<1x144xf32, #tpu.memory_space<vmem>>, %arg20: memref<144x128xf32, #tpu.memory_space<vmem>>, %arg21: memref<128x128xf32, #tpu.memory_space<vmem>>, %arg22: memref<1x128xf32, #tpu.memory_space<vmem>>, %arg23: memref<128x128xf32, #tpu.memory_space<vmem>>, %arg24: memref<1x128xf32, #tpu.memory_space<vmem>>, %arg25: memref<80x128xf32, #tpu.memory_space<vmem>>) attributes {dimension_semantics = [#tpu.dimension_semantics<arbitrary>], iteration_bounds = array<i64: 125>, scalar_prefetch = 0 : i64, scratch_operands = 0 : i64, tpu.core_type = #tpu.core_type<tc>, window_params = [{transform_indices = @transform_0, window_bounds = array<i64: 1600, 128>}, {transform_indices = @transform_1, window_bounds = array<i64: 80, 128>}, {transform_indices = @transform_2, window_bounds = array<i64: 1600, 16>}, {transform_indices = @transform_3, window_bounds = array<i64: 80, 20>}, {transform_indices = @transform_4, window_bounds = array<i64: 80, 1>}, {transform_indices = @transform_5, window_bounds = array<i64: 80, 20>}, {pipeline_mode = #tpu.pipeline_mode<synchronous>, transform_indices = @transform_6, window_bounds = array<i64: 1, 16>}, {pipeline_mode = #tpu.pipeline_mode<synchronous>, transform_indices = @transform_7, window_bounds = array<i64: 1, 16>}, {pipeline_mode = #tpu.pipeline_mode<synchronous>, transform_indices = @transform_8, window_bounds = array<i64: 128, 144>}, {pipeline_mode = #tpu.pipeline_mode<synchronous>, transform_indices = @transform_9, window_bounds = array<i64: 16, 144>}, {pipeline_mode = #tpu.pipeline_mode<synchronous>, transform_indices = @transform_10, window_bounds = array<i64: 1, 144>}, {pipeline_mode = #tpu.pipeline_mode<synchronous>, transform_indices = @transform_11, window_bounds = array<i64: 160, 144>}, {pipeline_mode = #tpu.pipeline_mode<synchronous>, transform_indices = @transform_12, window_bounds = array<i64: 160, 144>}, {pipeline_mode = #tpu.pipeline_mode<synchronous>, transform_indices = @transform_13, window_bounds = array<i64: 1, 144>}, {pipeline_mode = #tpu.pipeline_mode<synchronous>, transform_indices = @transform_14, window_bounds = array<i64: 160, 144>}, {pipeline_mode = #tpu.pipeline_mode<synchronous>, transform_indices = @transform_15, window_bounds = array<i64: 160, 144>}, {pipeline_mode = #tpu.pipeline_mode<synchronous>, transform_indices = @transform_16, window_bounds = array<i64: 1, 144>}, {pipeline_mode = #tpu.pipeline_mode<synchronous>, transform_indices = @transform_17, window_bounds = array<i64: 144, 144>}, {pipeline_mode = #tpu.pipeline_mode<synchronous>, transform_indices = @transform_18, window_bounds = array<i64: 1, 144>}, {pipeline_mode = #tpu.pipeline_mode<synchronous>, transform_indices = @transform_19, window_bounds = array<i64: 144, 128>}, {pipeline_mode = #tpu.pipeline_mode<synchronous>, transform_indices = @transform_20, window_bounds = array<i64: 128, 128>}, {pipeline_mode = #tpu.pipeline_mode<synchronous>, transform_indices = @transform_21, window_bounds = array<i64: 1, 128>}, {pipeline_mode = #tpu.pipeline_mode<synchronous>, transform_indices = @transform_22, window_bounds = array<i64: 128, 128>}, {pipeline_mode = #tpu.pipeline_mode<synchronous>, transform_indices = @transform_23, window_bounds = array<i64: 1, 128>}, {transform_indices = @transform_24, window_bounds = array<i64: 80, 128>}]} {
    %iota3A = tpu.iota {dimensions = array<i32: 0>} : vector<1600x80xi32>
    %jit3A = arith.constant 20 : i32
    %div3A = vector.broadcast %jit3A : i32 to vector<1600x80xi32>
    %div3A_0 = arith.divsi %iota3A, %div3A : vector<1600x80xi32>
    %sign3A = arith.constant 0 : i32
    %sign3A_1 = vector.broadcast %sign3A : i32 to vector<1600x80xi32>
    %sign3A_2 = arith.cmpi sgt, %iota3A, %sign3A_1 : vector<1600x80xi32>
    %sign3A_3 = arith.extui %sign3A_2 : vector<1600x80xi1> to vector<1600x80xi32>
    %sign3A_4 = arith.constant 0 : i32
    %sign3A_5 = vector.broadcast %sign3A_4 : i32 to vector<1600x80xi32>
    %sign3A_6 = arith.cmpi slt, %iota3A, %sign3A_5 : vector<1600x80xi32>
    %sign3A_7 = arith.extui %sign3A_6 : vector<1600x80xi1> to vector<1600x80xi32>
    %sign3A_8 = arith.subi %sign3A_3, %sign3A_7 : vector<1600x80xi32>
    %sign3A_9 = arith.constant 0 : i32
    %sign3A_10 = arith.cmpi sgt, %jit3A, %sign3A_9 : i32
    %sign3A_11 = arith.extui %sign3A_10 : i1 to i32
    %sign3A_12 = arith.constant 0 : i32
    %sign3A_13 = arith.cmpi slt, %jit3A, %sign3A_12 : i32
    %sign3A_14 = arith.extui %sign3A_13 : i1 to i32
    %sign3A_15 = arith.subi %sign3A_11, %sign3A_14 : i32
    %ne3A = vector.broadcast %sign3A_15 : i32 to vector<1600x80xi32>
    %ne3A_16 = arith.cmpi ne, %sign3A_8, %ne3A : vector<1600x80xi32>
    %rem3A = vector.broadcast %jit3A : i32 to vector<1600x80xi32>
    %rem3A_17 = arith.remsi %iota3A, %rem3A : vector<1600x80xi32>
    %ne3A_18 = arith.constant 0 : i32
    %ne3A_19 = vector.broadcast %ne3A_18 : i32 to vector<1600x80xi32>
    %ne3A_20 = arith.cmpi ne, %rem3A_17, %ne3A_19 : vector<1600x80xi32>
    %and3A = arith.andi %ne3A_16, %ne3A_20 : vector<1600x80xi1>
    %sub3A = arith.constant 1 : i32
    %sub3A_21 = vector.broadcast %sub3A : i32 to vector<1600x80xi32>
    %sub3A_22 = arith.subi %div3A_0, %sub3A_21 : vector<1600x80xi32>
    %select_n3A = arith.select %and3A, %sub3A_22, %div3A_0 : vector<1600x80xi1>, vector<1600x80xi32>
    %iota3A_23 = tpu.iota {dimensions = array<i32: 1>} : vector<1600x80xi32>
    %eq3A = arith.cmpi eq, %select_n3A, %iota3A_23 : vector<1600x80xi32>
    %convert_element_type3A = arith.extui %eq3A : vector<1600x80xi1> to vector<1600x80xi32>
    %convert_element_type3A_24 = arith.sitofp %convert_element_type3A : vector<1600x80xi32> to vector<1600x80xf32>
    %iota3A_25 = tpu.iota {dimensions = array<i32: 1>} : vector<80x1600xi32>
    %jit3A_26 = arith.constant 20 : i32
    %div3A_27 = vector.broadcast %jit3A_26 : i32 to vector<80x1600xi32>
    %div3A_28 = arith.divsi %iota3A_25, %div3A_27 : vector<80x1600xi32>
    %sign3A_29 = arith.constant 0 : i32
    %sign3A_30 = vector.broadcast %sign3A_29 : i32 to vector<80x1600xi32>
    %sign3A_31 = arith.cmpi sgt, %iota3A_25, %sign3A_30 : vector<80x1600xi32>
    %sign3A_32 = arith.extui %sign3A_31 : vector<80x1600xi1> to vector<80x1600xi32>
    %sign3A_33 = arith.constant 0 : i32
    %sign3A_34 = vector.broadcast %sign3A_33 : i32 to vector<80x1600xi32>
    %sign3A_35 = arith.cmpi slt, %iota3A_25, %sign3A_34 : vector<80x1600xi32>
    %sign3A_36 = arith.extui %sign3A_35 : vector<80x1600xi1> to vector<80x1600xi32>
    %sign3A_37 = arith.subi %sign3A_32, %sign3A_36 : vector<80x1600xi32>
    %sign3A_38 = arith.constant 0 : i32
    %sign3A_39 = arith.cmpi sgt, %jit3A_26, %sign3A_38 : i32
    %sign3A_40 = arith.extui %sign3A_39 : i1 to i32
    %sign3A_41 = arith.constant 0 : i32
    %sign3A_42 = arith.cmpi slt, %jit3A_26, %sign3A_41 : i32
    %sign3A_43 = arith.extui %sign3A_42 : i1 to i32
    %sign3A_44 = arith.subi %sign3A_40, %sign3A_43 : i32
    %ne3A_45 = vector.broadcast %sign3A_44 : i32 to vector<80x1600xi32>
    %ne3A_46 = arith.cmpi ne, %sign3A_37, %ne3A_45 : vector<80x1600xi32>
    %rem3A_47 = vector.broadcast %jit3A_26 : i32 to vector<80x1600xi32>
    %rem3A_48 = arith.remsi %iota3A_25, %rem3A_47 : vector<80x1600xi32>
    %ne3A_49 = arith.constant 0 : i32
    %ne3A_50 = vector.broadcast %ne3A_49 : i32 to vector<80x1600xi32>
    %ne3A_51 = arith.cmpi ne, %rem3A_48, %ne3A_50 : vector<80x1600xi32>
    %and3A_52 = arith.andi %ne3A_46, %ne3A_51 : vector<80x1600xi1>
    %sub3A_53 = arith.constant 1 : i32
    %sub3A_54 = vector.broadcast %sub3A_53 : i32 to vector<80x1600xi32>
    %sub3A_55 = arith.subi %div3A_28, %sub3A_54 : vector<80x1600xi32>
    %select_n3A_56 = arith.select %and3A_52, %sub3A_55, %div3A_28 : vector<80x1600xi1>, vector<80x1600xi32>
    %iota3A_57 = tpu.iota {dimensions = array<i32: 0>} : vector<80x1600xi32>
    %eq3A_58 = arith.cmpi eq, %select_n3A_56, %iota3A_57 : vector<80x1600xi32>
    %convert_element_type3A_59 = arith.extui %eq3A_58 : vector<80x1600xi1> to vector<80x1600xi32>
    %convert_element_type3A_60 = arith.sitofp %convert_element_type3A_59 : vector<80x1600xi32> to vector<80x1600xf32>
    %iota3A_61 = tpu.iota {dimensions = array<i32: 0>} : vector<144x2xi32>
    %jit3A_62 = arith.constant 72 : i32
    %div3A_63 = vector.broadcast %jit3A_62 : i32 to vector<144x2xi32>
    %div3A_64 = arith.divsi %iota3A_61, %div3A_63 : vector<144x2xi32>
    %sign3A_65 = arith.constant 0 : i32
    %sign3A_66 = vector.broadcast %sign3A_65 : i32 to vector<144x2xi32>
    %sign3A_67 = arith.cmpi sgt, %iota3A_61, %sign3A_66 : vector<144x2xi32>
    %sign3A_68 = arith.extui %sign3A_67 : vector<144x2xi1> to vector<144x2xi32>
    %sign3A_69 = arith.constant 0 : i32
    %sign3A_70 = vector.broadcast %sign3A_69 : i32 to vector<144x2xi32>
    %sign3A_71 = arith.cmpi slt, %iota3A_61, %sign3A_70 : vector<144x2xi32>
    %sign3A_72 = arith.extui %sign3A_71 : vector<144x2xi1> to vector<144x2xi32>
    %sign3A_73 = arith.subi %sign3A_68, %sign3A_72 : vector<144x2xi32>
    %sign3A_74 = arith.constant 0 : i32
    %sign3A_75 = arith.cmpi sgt, %jit3A_62, %sign3A_74 : i32
    %sign3A_76 = arith.extui %sign3A_75 : i1 to i32
    %sign3A_77 = arith.constant 0 : i32
    %sign3A_78 = arith.cmpi slt, %jit3A_62, %sign3A_77 : i32
    %sign3A_79 = arith.extui %sign3A_78 : i1 to i32
    %sign3A_80 = arith.subi %sign3A_76, %sign3A_79 : i32
    %ne3A_81 = vector.broadcast %sign3A_80 : i32 to vector<144x2xi32>
    %ne3A_82 = arith.cmpi ne, %sign3A_73, %ne3A_81 : vector<144x2xi32>
    %rem3A_83 = vector.broadcast %jit3A_62 : i32 to vector<144x2xi32>
    %rem3A_84 = arith.remsi %iota3A_61, %rem3A_83 : vector<144x2xi32>
    %ne3A_85 = arith.constant 0 : i32
    %ne3A_86 = vector.broadcast %ne3A_85 : i32 to vector<144x2xi32>
    %ne3A_87 = arith.cmpi ne, %rem3A_84, %ne3A_86 : vector<144x2xi32>
    %and3A_88 = arith.andi %ne3A_82, %ne3A_87 : vector<144x2xi1>
    %sub3A_89 = arith.constant 1 : i32
    %sub3A_90 = vector.broadcast %sub3A_89 : i32 to vector<144x2xi32>
    %sub3A_91 = arith.subi %div3A_64, %sub3A_90 : vector<144x2xi32>
    %select_n3A_92 = arith.select %and3A_88, %sub3A_91, %div3A_64 : vector<144x2xi1>, vector<144x2xi32>
    %iota3A_93 = tpu.iota {dimensions = array<i32: 1>} : vector<144x2xi32>
    %eq3A_94 = arith.cmpi eq, %select_n3A_92, %iota3A_93 : vector<144x2xi32>
    %convert_element_type3A_95 = arith.extui %eq3A_94 : vector<144x2xi1> to vector<144x2xi32>
    %convert_element_type3A_96 = arith.sitofp %convert_element_type3A_95 : vector<144x2xi32> to vector<144x2xf32>
    %iota3A_97 = tpu.iota {dimensions = array<i32: 1>} : vector<2x144xi32>
    %jit3A_98 = arith.constant 72 : i32
    %div3A_99 = vector.broadcast %jit3A_98 : i32 to vector<2x144xi32>
    %div3A_100 = arith.divsi %iota3A_97, %div3A_99 : vector<2x144xi32>
    %sign3A_101 = arith.constant 0 : i32
    %sign3A_102 = vector.broadcast %sign3A_101 : i32 to vector<2x144xi32>
    %sign3A_103 = arith.cmpi sgt, %iota3A_97, %sign3A_102 : vector<2x144xi32>
    %sign3A_104 = arith.extui %sign3A_103 : vector<2x144xi1> to vector<2x144xi32>
    %sign3A_105 = arith.constant 0 : i32
    %sign3A_106 = vector.broadcast %sign3A_105 : i32 to vector<2x144xi32>
    %sign3A_107 = arith.cmpi slt, %iota3A_97, %sign3A_106 : vector<2x144xi32>
    %sign3A_108 = arith.extui %sign3A_107 : vector<2x144xi1> to vector<2x144xi32>
    %sign3A_109 = arith.subi %sign3A_104, %sign3A_108 : vector<2x144xi32>
    %sign3A_110 = arith.constant 0 : i32
    %sign3A_111 = arith.cmpi sgt, %jit3A_98, %sign3A_110 : i32
    %sign3A_112 = arith.extui %sign3A_111 : i1 to i32
    %sign3A_113 = arith.constant 0 : i32
    %sign3A_114 = arith.cmpi slt, %jit3A_98, %sign3A_113 : i32
    %sign3A_115 = arith.extui %sign3A_114 : i1 to i32
    %sign3A_116 = arith.subi %sign3A_112, %sign3A_115 : i32
    %ne3A_117 = vector.broadcast %sign3A_116 : i32 to vector<2x144xi32>
    %ne3A_118 = arith.cmpi ne, %sign3A_109, %ne3A_117 : vector<2x144xi32>
    %rem3A_119 = vector.broadcast %jit3A_98 : i32 to vector<2x144xi32>
    %rem3A_120 = arith.remsi %iota3A_97, %rem3A_119 : vector<2x144xi32>
    %ne3A_121 = arith.constant 0 : i32
    %ne3A_122 = vector.broadcast %ne3A_121 : i32 to vector<2x144xi32>
    %ne3A_123 = arith.cmpi ne, %rem3A_120, %ne3A_122 : vector<2x144xi32>
    %and3A_124 = arith.andi %ne3A_118, %ne3A_123 : vector<2x144xi1>
    %sub3A_125 = arith.constant 1 : i32
    %sub3A_126 = vector.broadcast %sub3A_125 : i32 to vector<2x144xi32>
    %sub3A_127 = arith.subi %div3A_100, %sub3A_126 : vector<2x144xi32>
    %select_n3A_128 = arith.select %and3A_124, %sub3A_127, %div3A_100 : vector<2x144xi1>, vector<2x144xi32>
    %iota3A_129 = tpu.iota {dimensions = array<i32: 0>} : vector<2x144xi32>
    %eq3A_130 = arith.cmpi eq, %select_n3A_128, %iota3A_129 : vector<2x144xi32>
    %convert_element_type3A_131 = arith.extui %eq3A_130 : vector<2x144xi1> to vector<2x144xi32>
    %convert_element_type3A_132 = arith.sitofp %convert_element_type3A_131 : vector<2x144xi32> to vector<2x144xf32>
    %iota3A_133 = tpu.iota {dimensions = array<i32: 1>} : vector<1600x20xi32>
    %iota3A_134 = tpu.iota {dimensions = array<i32: 0>} : vector<1600x20xi32>
    %jit3A_135 = arith.constant 20 : i32
    %eq3A_136 = arith.constant 0 : i32
    %eq3A_137 = arith.cmpi eq, %jit3A_135, %eq3A_136 : i32
    %jit3A_138 = arith.constant 1 : i32
    %select_n3A_139 = arith.select %eq3A_137, %jit3A_138, %jit3A_135 : i32
    %rem3A_140 = vector.broadcast %select_n3A_139 : i32 to vector<1600x20xi32>
    %rem3A_141 = arith.remsi %iota3A_134, %rem3A_140 : vector<1600x20xi32>
    %ne3A_142 = arith.constant 0 : i32
    %ne3A_143 = vector.broadcast %ne3A_142 : i32 to vector<1600x20xi32>
    %ne3A_144 = arith.cmpi ne, %rem3A_141, %ne3A_143 : vector<1600x20xi32>
    %lt3A = arith.constant 0 : i32
    %lt3A_145 = vector.broadcast %lt3A : i32 to vector<1600x20xi32>
    %lt3A_146 = arith.cmpi slt, %rem3A_141, %lt3A_145 : vector<1600x20xi32>
    %lt3A_147 = arith.constant 0 : i32
    %lt3A_148 = arith.cmpi slt, %select_n3A_139, %lt3A_147 : i32
    %ne3A_149 = vector.broadcast %lt3A_148 : i1 to vector<1600x20xi1>
    %ne3A_150 = vector.broadcast %ne3A_149 : vector<1600x20xi1> to vector<1600x20xi1>
    %ne3A_151 = arith.xori %lt3A_146, %ne3A_150 : vector<1600x20xi1>
    %and3A_152 = arith.andi %ne3A_151, %ne3A_144 : vector<1600x20xi1>
    %add3A = vector.broadcast %select_n3A_139 : i32 to vector<1600x20xi32>
    %add3A_153 = arith.addi %rem3A_141, %add3A : vector<1600x20xi32>
    %select_n3A_154 = arith.select %and3A_152, %add3A_153, %rem3A_141 : vector<1600x20xi1>, vector<1600x20xi32>
    %eq3A_155 = arith.cmpi eq, %iota3A_133, %select_n3A_154 : vector<1600x20xi32>
    %get3A = arith.constant 0 : index
    %get3A_156 = arith.constant 0 : index
    %get3A_157 = vector.load %arg1[%get3A, %get3A_156] : memref<1600x128xf32, #tpu.memory_space<vmem>>, vector<1600x128xf32>
    %get3A_158 = arith.constant 0 : index
    %get3A_159 = arith.constant 0 : index
    %get3A_160 = vector.load %arg2[%get3A_158, %get3A_159] : memref<80x128xf32, #tpu.memory_space<vmem>>, vector<80x128xf32>
    %get3A_161 = arith.constant 0 : index
    %get3A_162 = arith.constant 0 : index
    %get3A_163 = vector.load %arg3[%get3A_161, %get3A_162] : memref<1600x16xf32, #tpu.memory_space<vmem>>, vector<1600x16xf32>
    %get3A_164 = arith.constant 0 : index
    %get3A_165 = arith.constant 0 : index
    %get3A_166 = vector.load %arg4[%get3A_164, %get3A_165] : memref<80x20xf32, #tpu.memory_space<vmem>>, vector<80x20xf32>
    %convert_element_type3A_167 = arith.truncf %get3A_166 : vector<80x20xf32> to vector<80x20xbf16>
    %convert_element_type3A_168 = arith.extf %convert_element_type3A_167 : vector<80x20xbf16> to vector<80x20xf32>
    %dot_general3A = arith.constant dense<0.000000e+00> : vector<1600x20xf32>
    %dot_general3A_169 = tpu.matmul %convert_element_type3A_24, %convert_element_type3A_168, %dot_general3A {dimension_numbers = #tpu.dot_dimension_numbers<[1], [0], [0], [1], [0, 0, 1, 1], [], []>, transpose_lhs_hint = false} : vector<1600x80xf32>, vector<80x20xf32>, vector<1600x20xf32> -> vector<1600x20xf32>
    %jit3A_170 = arith.constant 0.000000e+00 : f32
    %broadcast_in_dim3A = vector.broadcast %jit3A_170 : f32 to vector<1600x20xf32>
    %select_n3A_171 = arith.select %eq3A_155, %dot_general3A_169, %broadcast_in_dim3A : vector<1600x20xi1>, vector<1600x20xf32>
    %reduce_sum3A = arith.constant dense<0.000000e+00> : vector<1600xf32>
    %reduce_sum3A_172 = vector.multi_reduction <add>, %select_n3A_171, %reduce_sum3A [1] : vector<1600x20xf32> to vector<1600xf32>
    %broadcast_in_dim3A_173 = vector.shape_cast %reduce_sum3A_172 : vector<1600xf32> to vector<1600x1xf32>
    %sub3A_174 = arith.subf %get3A_166, %convert_element_type3A_168 : vector<80x20xf32>
    %dot_general3A_175 = arith.constant dense<0.000000e+00> : vector<1600x20xf32>
    %dot_general3A_176 = tpu.matmul %convert_element_type3A_24, %sub3A_174, %dot_general3A_175 {dimension_numbers = #tpu.dot_dimension_numbers<[1], [0], [0], [1], [0, 0, 1, 1], [], []>, transpose_lhs_hint = false} : vector<1600x80xf32>, vector<80x20xf32>, vector<1600x20xf32> -> vector<1600x20xf32>
    %jit3A_177 = arith.constant 0.000000e+00 : f32
    %broadcast_in_dim3A_178 = vector.broadcast %jit3A_177 : f32 to vector<1600x20xf32>
    %select_n3A_179 = arith.select %eq3A_155, %dot_general3A_176, %broadcast_in_dim3A_178 : vector<1600x20xi1>, vector<1600x20xf32>
    %reduce_sum3A_180 = arith.constant dense<0.000000e+00> : vector<1600xf32>
    %reduce_sum3A_181 = vector.multi_reduction <add>, %select_n3A_179, %reduce_sum3A_180 [1] : vector<1600x20xf32> to vector<1600xf32>
    %broadcast_in_dim3A_182 = vector.shape_cast %reduce_sum3A_181 : vector<1600xf32> to vector<1600x1xf32>
    %add3A_183 = arith.addf %broadcast_in_dim3A_173, %broadcast_in_dim3A_182 : vector<1600x1xf32>
    %get3A_184 = arith.constant 0 : index
    %get3A_185 = arith.constant 0 : index
    %get3A_186 = vector.load %arg6[%get3A_184, %get3A_185] : memref<80x20xf32, #tpu.memory_space<vmem>>, vector<80x20xf32>
    %dot_general3A_187 = arith.constant dense<0.000000e+00> : vector<1600x20xf32>
    %dot_general3A_188 = tpu.matmul %convert_element_type3A_24, %get3A_186, %dot_general3A_187 {dimension_numbers = #tpu.dot_dimension_numbers<[1], [0], [0], [1], [0, 0, 1, 1], [], []>, transpose_lhs_hint = false} : vector<1600x80xf32>, vector<80x20xf32>, vector<1600x20xf32> -> vector<1600x20xf32>
    %jit3A_189 = arith.constant 0.000000e+00 : f32
    %broadcast_in_dim3A_190 = vector.broadcast %jit3A_189 : f32 to vector<1600x20xf32>
    %select_n3A_191 = arith.select %eq3A_155, %dot_general3A_188, %broadcast_in_dim3A_190 : vector<1600x20xi1>, vector<1600x20xf32>
    %reduce_sum3A_192 = arith.constant dense<0.000000e+00> : vector<1600xf32>
    %reduce_sum3A_193 = vector.multi_reduction <add>, %select_n3A_191, %reduce_sum3A_192 [1] : vector<1600x20xf32> to vector<1600xf32>
    %broadcast_in_dim3A_194 = vector.shape_cast %reduce_sum3A_193 : vector<1600xf32> to vector<1600x1xf32>
    %get3A_195 = arith.constant 0 : index
    %get3A_196 = arith.constant 0 : index
    %get3A_197 = vector.load %arg5[%get3A_195, %get3A_196] : memref<80x1xf32, #tpu.memory_space<vmem>>, vector<80x1xf32>
    %convert_element_type3A_198 = arith.truncf %get3A_197 : vector<80x1xf32> to vector<80x1xbf16>
    %convert_element_type3A_199 = arith.extf %convert_element_type3A_198 : vector<80x1xbf16> to vector<80x1xf32>
    %dot_general3A_200 = arith.constant dense<0.000000e+00> : vector<1600x1xf32>
    %dot_general3A_201 = tpu.matmul %convert_element_type3A_24, %convert_element_type3A_199, %dot_general3A_200 {dimension_numbers = #tpu.dot_dimension_numbers<[1], [0], [0], [1], [0, 0, 1, 1], [], []>, transpose_lhs_hint = false} : vector<1600x80xf32>, vector<80x1xf32>, vector<1600x1xf32> -> vector<1600x1xf32>
    %sub3A_202 = arith.subf %get3A_197, %convert_element_type3A_199 : vector<80x1xf32>
    %dot_general3A_203 = arith.constant dense<0.000000e+00> : vector<1600x1xf32>
    %dot_general3A_204 = tpu.matmul %convert_element_type3A_24, %sub3A_202, %dot_general3A_203 {dimension_numbers = #tpu.dot_dimension_numbers<[1], [0], [0], [1], [0, 0, 1, 1], [], []>, transpose_lhs_hint = false} : vector<1600x80xf32>, vector<80x1xf32>, vector<1600x1xf32> -> vector<1600x1xf32>
    %add3A_205 = arith.addf %dot_general3A_201, %dot_general3A_204 : vector<1600x1xf32>
    %sub3A_206 = arith.subf %add3A_205, %add3A_183 : vector<1600x1xf32>
    %get3A_207 = arith.constant 0 : index
    %get3A_208 = arith.constant 0 : index
    %get3A_209 = vector.load %arg7[%get3A_207, %get3A_208] : memref<1x16xf32, #tpu.memory_space<vmem>>, vector<1x16xf32>
    %mul3A = vector.broadcast %sub3A_206 : vector<1600x1xf32> to vector<1600x16xf32>
    %mul3A_210 = vector.broadcast %get3A_209 : vector<1x16xf32> to vector<1600x16xf32>
    %mul3A_211 = arith.mulf %mul3A, %mul3A_210 : vector<1600x16xf32>
    %get3A_212 = arith.constant 0 : index
    %get3A_213 = arith.constant 0 : index
    %get3A_214 = vector.load %arg8[%get3A_212, %get3A_213] : memref<1x16xf32, #tpu.memory_space<vmem>>, vector<1x16xf32>
    %add3A_215 = vector.broadcast %get3A_214 : vector<1x16xf32> to vector<1600x16xf32>
    %add3A_216 = arith.addf %mul3A_211, %add3A_215 : vector<1600x16xf32>
    %mul3A_217 = arith.constant 0.159154937 : f32
    %mul3A_218 = vector.broadcast %mul3A_217 : f32 to vector<1600x16xf32>
    %mul3A_219 = arith.mulf %add3A_216, %mul3A_218 : vector<1600x16xf32>
    %round3A = math.roundeven %mul3A_219 : vector<1600x16xf32>
    %mul3A_220 = arith.constant 6.281250e+00 : f32
    %mul3A_221 = vector.broadcast %mul3A_220 : f32 to vector<1600x16xf32>
    %mul3A_222 = arith.mulf %round3A, %mul3A_221 : vector<1600x16xf32>
    %sub3A_223 = arith.subf %add3A_216, %mul3A_222 : vector<1600x16xf32>
    %mul3A_224 = arith.constant 0.00193530717 : f32
    %mul3A_225 = vector.broadcast %mul3A_224 : f32 to vector<1600x16xf32>
    %mul3A_226 = arith.mulf %round3A, %mul3A_225 : vector<1600x16xf32>
    %sub3A_227 = arith.subf %sub3A_223, %mul3A_226 : vector<1600x16xf32>
    %mul3A_228 = arith.mulf %sub3A_227, %sub3A_227 : vector<1600x16xf32>
    %mul3A_229 = arith.constant 1.73691173E-9 : f32
    %mul3A_230 = vector.broadcast %mul3A_229 : f32 to vector<1600x16xf32>
    %mul3A_231 = arith.mulf %mul3A_230, %mul3A_228 : vector<1600x16xf32>
    %sub3A_232 = arith.constant 2.711337E-7 : f32
    %sub3A_233 = vector.broadcast %sub3A_232 : f32 to vector<1600x16xf32>
    %sub3A_234 = arith.subf %mul3A_231, %sub3A_233 : vector<1600x16xf32>
    %mul3A_235 = arith.mulf %sub3A_234, %mul3A_228 : vector<1600x16xf32>
    %add3A_236 = arith.constant 2.47734242E-5 : f32
    %add3A_237 = vector.broadcast %add3A_236 : f32 to vector<1600x16xf32>
    %add3A_238 = arith.addf %mul3A_235, %add3A_237 : vector<1600x16xf32>
    %mul3A_239 = arith.mulf %add3A_238, %mul3A_228 : vector<1600x16xf32>
    %sub3A_240 = arith.constant 0.00138879707 : f32
    %sub3A_241 = vector.broadcast %sub3A_240 : f32 to vector<1600x16xf32>
    %sub3A_242 = arith.subf %mul3A_239, %sub3A_241 : vector<1600x16xf32>
    %mul3A_243 = arith.mulf %sub3A_242, %mul3A_228 : vector<1600x16xf32>
    %add3A_244 = arith.constant 0.0416665226 : f32
    %add3A_245 = vector.broadcast %add3A_244 : f32 to vector<1600x16xf32>
    %add3A_246 = arith.addf %mul3A_243, %add3A_245 : vector<1600x16xf32>
    %mul3A_247 = arith.mulf %add3A_246, %mul3A_228 : vector<1600x16xf32>
    %sub3A_248 = arith.constant 0.499999911 : f32
    %sub3A_249 = vector.broadcast %sub3A_248 : f32 to vector<1600x16xf32>
    %sub3A_250 = arith.subf %mul3A_247, %sub3A_249 : vector<1600x16xf32>
    %mul3A_251 = arith.mulf %sub3A_250, %mul3A_228 : vector<1600x16xf32>
    %add3A_252 = arith.constant 1.000000e+00 : f32
    %add3A_253 = vector.broadcast %add3A_252 : f32 to vector<1600x16xf32>
    %add3A_254 = arith.addf %mul3A_251, %add3A_253 : vector<1600x16xf32>
    %get3A_255 = arith.constant 0 : index
    %get3A_256 = arith.constant 0 : index
    %get3A_257 = vector.load %arg8[%get3A_255, %get3A_256] : memref<1x16xf32, #tpu.memory_space<vmem>>, vector<1x16xf32>
    %mul3A_258 = arith.constant 0.159154937 : f32
    %mul3A_259 = vector.broadcast %mul3A_258 : f32 to vector<1x16xf32>
    %mul3A_260 = arith.mulf %get3A_257, %mul3A_259 : vector<1x16xf32>
    %round3A_261 = math.roundeven %mul3A_260 : vector<1x16xf32>
    %mul3A_262 = arith.constant 6.281250e+00 : f32
    %mul3A_263 = vector.broadcast %mul3A_262 : f32 to vector<1x16xf32>
    %mul3A_264 = arith.mulf %round3A_261, %mul3A_263 : vector<1x16xf32>
    %sub3A_265 = arith.subf %get3A_257, %mul3A_264 : vector<1x16xf32>
    %mul3A_266 = arith.constant 0.00193530717 : f32
    %mul3A_267 = vector.broadcast %mul3A_266 : f32 to vector<1x16xf32>
    %mul3A_268 = arith.mulf %round3A_261, %mul3A_267 : vector<1x16xf32>
    %sub3A_269 = arith.subf %sub3A_265, %mul3A_268 : vector<1x16xf32>
    %mul3A_270 = arith.mulf %sub3A_269, %sub3A_269 : vector<1x16xf32>
    %mul3A_271 = arith.constant 1.73691173E-9 : f32
    %mul3A_272 = vector.broadcast %mul3A_271 : f32 to vector<1x16xf32>
    %mul3A_273 = arith.mulf %mul3A_272, %mul3A_270 : vector<1x16xf32>
    %sub3A_274 = arith.constant 2.711337E-7 : f32
    %sub3A_275 = vector.broadcast %sub3A_274 : f32 to vector<1x16xf32>
    %sub3A_276 = arith.subf %mul3A_273, %sub3A_275 : vector<1x16xf32>
    %mul3A_277 = arith.mulf %sub3A_276, %mul3A_270 : vector<1x16xf32>
    %add3A_278 = arith.constant 2.47734242E-5 : f32
    %add3A_279 = vector.broadcast %add3A_278 : f32 to vector<1x16xf32>
    %add3A_280 = arith.addf %mul3A_277, %add3A_279 : vector<1x16xf32>
    %mul3A_281 = arith.mulf %add3A_280, %mul3A_270 : vector<1x16xf32>
    %sub3A_282 = arith.constant 0.00138879707 : f32
    %sub3A_283 = vector.broadcast %sub3A_282 : f32 to vector<1x16xf32>
    %sub3A_284 = arith.subf %mul3A_281, %sub3A_283 : vector<1x16xf32>
    %mul3A_285 = arith.mulf %sub3A_284, %mul3A_270 : vector<1x16xf32>
    %add3A_286 = arith.constant 0.0416665226 : f32
    %add3A_287 = vector.broadcast %add3A_286 : f32 to vector<1x16xf32>
    %add3A_288 = arith.addf %mul3A_285, %add3A_287 : vector<1x16xf32>
    %mul3A_289 = arith.mulf %add3A_288, %mul3A_270 : vector<1x16xf32>
    %sub3A_290 = arith.constant 0.499999911 : f32
    %sub3A_291 = vector.broadcast %sub3A_290 : f32 to vector<1x16xf32>
    %sub3A_292 = arith.subf %mul3A_289, %sub3A_291 : vector<1x16xf32>
    %mul3A_293 = arith.mulf %sub3A_292, %mul3A_270 : vector<1x16xf32>
    %add3A_294 = arith.constant 1.000000e+00 : f32
    %add3A_295 = vector.broadcast %add3A_294 : f32 to vector<1x16xf32>
    %add3A_296 = arith.addf %mul3A_293, %add3A_295 : vector<1x16xf32>
    %get3A_297 = arith.constant 0 : index
    %get3A_298 = arith.constant 0 : index
    %get3A_299 = vector.load %arg9[%get3A_297, %get3A_298] : memref<128x144xf32, #tpu.memory_space<vmem>>, vector<128x144xf32>
    %dot_general3A_300 = arith.constant dense<0.000000e+00> : vector<80x144xf32>
    %dot_general3A_301 = tpu.matmul %get3A_160, %get3A_299, %dot_general3A_300 {dimension_numbers = #tpu.dot_dimension_numbers<[1], [0], [0], [1], [0, 0, 1, 1], [], []>, precision = #tpu.contract_precision<fp32>, transpose_lhs_hint = false} : vector<80x128xf32>, vector<128x144xf32>, vector<80x144xf32> -> vector<80x144xf32>
    %get3A_302 = arith.constant 0 : index
    %get3A_303 = arith.constant 0 : index
    %get3A_304 = vector.load %arg10[%get3A_302, %get3A_303] : memref<16x144xf32, #tpu.memory_space<vmem>>, vector<16x144xf32>
    %dot_general3A_305 = arith.constant dense<0.000000e+00> : vector<1x144xf32>
    %dot_general3A_306 = tpu.matmul %add3A_296, %get3A_304, %dot_general3A_305 {dimension_numbers = #tpu.dot_dimension_numbers<[1], [0], [0], [1], [0, 0, 1, 1], [], []>, precision = #tpu.contract_precision<fp32>, transpose_lhs_hint = false} : vector<1x16xf32>, vector<16x144xf32>, vector<1x144xf32> -> vector<1x144xf32>
    %add3A_307 = vector.broadcast %dot_general3A_306 : vector<1x144xf32> to vector<80x144xf32>
    %add3A_308 = arith.addf %dot_general3A_301, %add3A_307 : vector<80x144xf32>
    %get3A_309 = arith.constant 0 : index
    %get3A_310 = arith.constant 0 : index
    %get3A_311 = vector.load %arg11[%get3A_309, %get3A_310] : memref<1x144xf32, #tpu.memory_space<vmem>>, vector<1x144xf32>
    %add3A_312 = vector.broadcast %get3A_311 : vector<1x144xf32> to vector<80x144xf32>
    %add3A_313 = arith.addf %add3A_308, %add3A_312 : vector<80x144xf32>
    %concatenate3A = tpu.concatenate %get3A_157, %add3A_254, %get3A_163 in 1 : vector<1600x128xf32>, vector<1600x16xf32>, vector<1600x16xf32> -> vector<1600x160xf32>
    %convert_element_type3A_314 = arith.truncf %concatenate3A : vector<1600x160xf32> to vector<1600x160xbf16>
    %convert_element_type3A_315 = arith.extf %convert_element_type3A_314 : vector<1600x160xbf16> to vector<1600x160xf32>
    %sub3A_316 = arith.subf %concatenate3A, %convert_element_type3A_315 : vector<1600x160xf32>
    %get3A_317 = arith.constant 0 : index
    %get3A_318 = arith.constant 0 : index
    %get3A_319 = vector.load %arg12[%get3A_317, %get3A_318] : memref<160x144xf32, #tpu.memory_space<vmem>>, vector<160x144xf32>
    %dot_general3A_320 = arith.constant dense<0.000000e+00> : vector<1600x144xf32>
    %dot_general3A_321 = tpu.matmul %convert_element_type3A_315, %get3A_319, %dot_general3A_320 {dimension_numbers = #tpu.dot_dimension_numbers<[1], [0], [0], [1], [0, 0, 1, 1], [], []>, transpose_lhs_hint = false} : vector<1600x160xf32>, vector<160x144xf32>, vector<1600x144xf32> -> vector<1600x144xf32>
    %get3A_322 = arith.constant 0 : index
    %get3A_323 = arith.constant 0 : index
    %get3A_324 = vector.load %arg13[%get3A_322, %get3A_323] : memref<160x144xf32, #tpu.memory_space<vmem>>, vector<160x144xf32>
    %dot_general3A_325 = arith.constant dense<0.000000e+00> : vector<1600x144xf32>
    %dot_general3A_326 = tpu.matmul %convert_element_type3A_315, %get3A_324, %dot_general3A_325 {dimension_numbers = #tpu.dot_dimension_numbers<[1], [0], [0], [1], [0, 0, 1, 1], [], []>, transpose_lhs_hint = false} : vector<1600x160xf32>, vector<160x144xf32>, vector<1600x144xf32> -> vector<1600x144xf32>
    %add3A_327 = arith.addf %dot_general3A_321, %dot_general3A_326 : vector<1600x144xf32>
    %get3A_328 = arith.constant 0 : index
    %get3A_329 = arith.constant 0 : index
    %get3A_330 = vector.load %arg12[%get3A_328, %get3A_329] : memref<160x144xf32, #tpu.memory_space<vmem>>, vector<160x144xf32>
    %dot_general3A_331 = arith.constant dense<0.000000e+00> : vector<1600x144xf32>
    %dot_general3A_332 = tpu.matmul %sub3A_316, %get3A_330, %dot_general3A_331 {dimension_numbers = #tpu.dot_dimension_numbers<[1], [0], [0], [1], [0, 0, 1, 1], [], []>, transpose_lhs_hint = false} : vector<1600x160xf32>, vector<160x144xf32>, vector<1600x144xf32> -> vector<1600x144xf32>
    %add3A_333 = arith.addf %add3A_327, %dot_general3A_332 : vector<1600x144xf32>
    %get3A_334 = arith.constant 0 : index
    %get3A_335 = arith.constant 0 : index
    %get3A_336 = vector.load %arg14[%get3A_334, %get3A_335] : memref<1x144xf32, #tpu.memory_space<vmem>>, vector<1x144xf32>
    %add3A_337 = vector.broadcast %get3A_336 : vector<1x144xf32> to vector<1600x144xf32>
    %add3A_338 = arith.addf %add3A_333, %add3A_337 : vector<1600x144xf32>
    %get3A_339 = arith.constant 0 : index
    %get3A_340 = arith.constant 0 : index
    %get3A_341 = vector.load %arg15[%get3A_339, %get3A_340] : memref<160x144xf32, #tpu.memory_space<vmem>>, vector<160x144xf32>
    %dot_general3A_342 = arith.constant dense<0.000000e+00> : vector<1600x144xf32>
    %dot_general3A_343 = tpu.matmul %convert_element_type3A_315, %get3A_341, %dot_general3A_342 {dimension_numbers = #tpu.dot_dimension_numbers<[1], [0], [0], [1], [0, 0, 1, 1], [], []>, transpose_lhs_hint = false} : vector<1600x160xf32>, vector<160x144xf32>, vector<1600x144xf32> -> vector<1600x144xf32>
    %get3A_344 = arith.constant 0 : index
    %get3A_345 = arith.constant 0 : index
    %get3A_346 = vector.load %arg16[%get3A_344, %get3A_345] : memref<160x144xf32, #tpu.memory_space<vmem>>, vector<160x144xf32>
    %dot_general3A_347 = arith.constant dense<0.000000e+00> : vector<1600x144xf32>
    %dot_general3A_348 = tpu.matmul %convert_element_type3A_315, %get3A_346, %dot_general3A_347 {dimension_numbers = #tpu.dot_dimension_numbers<[1], [0], [0], [1], [0, 0, 1, 1], [], []>, transpose_lhs_hint = false} : vector<1600x160xf32>, vector<160x144xf32>, vector<1600x144xf32> -> vector<1600x144xf32>
    %add3A_349 = arith.addf %dot_general3A_343, %dot_general3A_348 : vector<1600x144xf32>
    %get3A_350 = arith.constant 0 : index
    %get3A_351 = arith.constant 0 : index
    %get3A_352 = vector.load %arg15[%get3A_350, %get3A_351] : memref<160x144xf32, #tpu.memory_space<vmem>>, vector<160x144xf32>
    %dot_general3A_353 = arith.constant dense<0.000000e+00> : vector<1600x144xf32>
    %dot_general3A_354 = tpu.matmul %sub3A_316, %get3A_352, %dot_general3A_353 {dimension_numbers = #tpu.dot_dimension_numbers<[1], [0], [0], [1], [0, 0, 1, 1], [], []>, transpose_lhs_hint = false} : vector<1600x160xf32>, vector<160x144xf32>, vector<1600x144xf32> -> vector<1600x144xf32>
    %add3A_355 = arith.addf %add3A_349, %dot_general3A_354 : vector<1600x144xf32>
    %get3A_356 = arith.constant 0 : index
    %get3A_357 = arith.constant 0 : index
    %get3A_358 = vector.load %arg17[%get3A_356, %get3A_357] : memref<1x144xf32, #tpu.memory_space<vmem>>, vector<1x144xf32>
    %add3A_359 = vector.broadcast %get3A_358 : vector<1x144xf32> to vector<1600x144xf32>
    %add3A_360 = arith.addf %add3A_355, %add3A_359 : vector<1600x144xf32>
    %dot_general3A_361 = arith.constant dense<0.000000e+00> : vector<1600x144xf32>
    %dot_general3A_362 = tpu.matmul %convert_element_type3A_24, %add3A_313, %dot_general3A_361 {dimension_numbers = #tpu.dot_dimension_numbers<[1], [0], [0], [1], [0, 0, 1, 1], [], []>, transpose_lhs_hint = false} : vector<1600x80xf32>, vector<80x144xf32>, vector<1600x144xf32> -> vector<1600x144xf32>
    %mul3A_363 = arith.mulf %dot_general3A_362, %add3A_338 : vector<1600x144xf32>
    %dot_general3A_364 = arith.constant dense<0.000000e+00> : vector<1600x2xf32>
    %dot_general3A_365 = tpu.matmul %mul3A_363, %convert_element_type3A_96, %dot_general3A_364 {dimension_numbers = #tpu.dot_dimension_numbers<[1], [0], [0], [1], [0, 0, 1, 1], [], []>, transpose_lhs_hint = false} : vector<1600x144xf32>, vector<144x2xf32>, vector<1600x2xf32> -> vector<1600x2xf32>
    %mul3A_366 = arith.constant 0.117851131 : f32
    %mul3A_367 = vector.broadcast %mul3A_366 : f32 to vector<1600x2xf32>
    %mul3A_368 = arith.mulf %dot_general3A_365, %mul3A_367 : vector<1600x2xf32>
    %add3A_369 = vector.broadcast %broadcast_in_dim3A_194 : vector<1600x1xf32> to vector<1600x2xf32>
    %add3A_370 = arith.addf %mul3A_368, %add3A_369 : vector<1600x2xf32>
    %exp3A = math.exp %add3A_370 : vector<1600x2xf32>
    %dot_general3A_371 = arith.constant dense<0.000000e+00> : vector<80x2xf32>
    %dot_general3A_372 = tpu.matmul %convert_element_type3A_60, %exp3A, %dot_general3A_371 {dimension_numbers = #tpu.dot_dimension_numbers<[1], [0], [0], [1], [0, 0, 1, 1], [], []>, transpose_lhs_hint = false} : vector<80x1600xf32>, vector<1600x2xf32>, vector<80x2xf32> -> vector<80x2xf32>
    %slice3A = vector.extract_strided_slice %dot_general3A_372 {offsets = [0, 0], sizes = [80, 1], strides = [1, 1]} : vector<80x2xf32> to vector<80x1xf32>
    %eq3A_373 = arith.constant 0.000000e+00 : f32
    %eq3A_374 = vector.broadcast %eq3A_373 : f32 to vector<80x1xf32>
    %eq3A_375 = arith.cmpf oeq, %slice3A, %eq3A_374 : vector<80x1xf32>
    %eq3A_376 = arith.constant 0.000000e+00 : f32
    %eq3A_377 = vector.broadcast %eq3A_376 : f32 to vector<80x2xf32>
    %eq3A_378 = arith.cmpf oeq, %dot_general3A_372, %eq3A_377 : vector<80x2xf32>
    %jit3A_379 = arith.constant 1.000000e+00 : f32
    %broadcast_in_dim3A_380 = vector.broadcast %jit3A_379 : f32 to vector<80x2xf32>
    %select_n3A_381 = arith.select %eq3A_378, %broadcast_in_dim3A_380, %dot_general3A_372 : vector<80x2xi1>, vector<80x2xf32>
    %div3A_382 = arith.constant 1.000000e+00 : f32
    %div3A_383 = vector.broadcast %div3A_382 : f32 to vector<80x2xf32>
    %div3A_384 = arith.divf %div3A_383, %select_n3A_381 : vector<80x2xf32>
    %dot_general3A_385 = arith.constant dense<0.000000e+00> : vector<1600x2xf32>
    %dot_general3A_386 = tpu.matmul %convert_element_type3A_24, %div3A_384, %dot_general3A_385 {dimension_numbers = #tpu.dot_dimension_numbers<[1], [0], [0], [1], [0, 0, 1, 1], [], []>, transpose_lhs_hint = false} : vector<1600x80xf32>, vector<80x2xf32>, vector<1600x2xf32> -> vector<1600x2xf32>
    %mul3A_387 = arith.mulf %exp3A, %dot_general3A_386 : vector<1600x2xf32>
    %dot_general3A_388 = arith.constant dense<0.000000e+00> : vector<1600x144xf32>
    %dot_general3A_389 = tpu.matmul %mul3A_387, %convert_element_type3A_132, %dot_general3A_388 {dimension_numbers = #tpu.dot_dimension_numbers<[1], [0], [0], [1], [0, 0, 1, 1], [], []>, transpose_lhs_hint = false} : vector<1600x2xf32>, vector<2x144xf32>, vector<1600x144xf32> -> vector<1600x144xf32>
    %mul3A_390 = arith.mulf %dot_general3A_389, %add3A_360 : vector<1600x144xf32>
    %dot_general3A_391 = arith.constant dense<0.000000e+00> : vector<80x144xf32>
    %dot_general3A_392 = tpu.matmul %convert_element_type3A_60, %mul3A_390, %dot_general3A_391 {dimension_numbers = #tpu.dot_dimension_numbers<[1], [0], [0], [1], [0, 0, 1, 1], [], []>, transpose_lhs_hint = false} : vector<80x1600xf32>, vector<1600x144xf32>, vector<80x144xf32> -> vector<80x144xf32>
    %get3A_393 = arith.constant 0 : index
    %get3A_394 = arith.constant 0 : index
    %get3A_395 = vector.load %arg18[%get3A_393, %get3A_394] : memref<144x144xf32, #tpu.memory_space<vmem>>, vector<144x144xf32>
    %dot_general3A_396 = arith.constant dense<0.000000e+00> : vector<80x144xf32>
    %dot_general3A_397 = tpu.matmul %dot_general3A_392, %get3A_395, %dot_general3A_396 {dimension_numbers = #tpu.dot_dimension_numbers<[1], [0], [0], [1], [0, 0, 1, 1], [], []>, precision = #tpu.contract_precision<fp32>, transpose_lhs_hint = false} : vector<80x144xf32>, vector<144x144xf32>, vector<80x144xf32> -> vector<80x144xf32>
    %get3A_398 = arith.constant 0 : index
    %get3A_399 = arith.constant 0 : index
    %get3A_400 = vector.load %arg19[%get3A_398, %get3A_399] : memref<1x144xf32, #tpu.memory_space<vmem>>, vector<1x144xf32>
    %add3A_401 = vector.broadcast %get3A_400 : vector<1x144xf32> to vector<80x144xf32>
    %add3A_402 = arith.addf %dot_general3A_397, %add3A_401 : vector<80x144xf32>
    %jit3A_403 = arith.constant 0.000000e+00 : f32
    %broadcast_in_dim3A_404 = vector.shape_cast %eq3A_375 : vector<80x1xi1> to vector<80x1xi1>
    %broadcast_in_dim3A_405 = vector.broadcast %broadcast_in_dim3A_404 : vector<80x1xi1> to vector<80x144xi1>
    %broadcast_in_dim3A_406 = vector.broadcast %jit3A_403 : f32 to vector<80x144xf32>
    %select_n3A_407 = arith.select %broadcast_in_dim3A_405, %broadcast_in_dim3A_406, %add3A_402 : vector<80x144xi1>, vector<80x144xf32>
    %get3A_408 = arith.constant 0 : index
    %get3A_409 = arith.constant 0 : index
    %get3A_410 = vector.load %arg20[%get3A_408, %get3A_409] : memref<144x128xf32, #tpu.memory_space<vmem>>, vector<144x128xf32>
    %dot_general3A_411 = arith.constant dense<0.000000e+00> : vector<80x128xf32>
    %dot_general3A_412 = tpu.matmul %select_n3A_407, %get3A_410, %dot_general3A_411 {dimension_numbers = #tpu.dot_dimension_numbers<[1], [0], [0], [1], [0, 0, 1, 1], [], []>, precision = #tpu.contract_precision<fp32>, transpose_lhs_hint = false} : vector<80x144xf32>, vector<144x128xf32>, vector<80x128xf32> -> vector<80x128xf32>
    %get3A_413 = arith.constant 0 : index
    %get3A_414 = arith.constant 0 : index
    %get3A_415 = vector.load %arg21[%get3A_413, %get3A_414] : memref<128x128xf32, #tpu.memory_space<vmem>>, vector<128x128xf32>
    %dot_general3A_416 = arith.constant dense<0.000000e+00> : vector<80x128xf32>
    %dot_general3A_417 = tpu.matmul %get3A_160, %get3A_415, %dot_general3A_416 {dimension_numbers = #tpu.dot_dimension_numbers<[1], [0], [0], [1], [0, 0, 1, 1], [], []>, precision = #tpu.contract_precision<fp32>, transpose_lhs_hint = false} : vector<80x128xf32>, vector<128x128xf32>, vector<80x128xf32> -> vector<80x128xf32>
    %add3A_418 = arith.addf %dot_general3A_412, %dot_general3A_417 : vector<80x128xf32>
    %get3A_419 = arith.constant 0 : index
    %get3A_420 = arith.constant 0 : index
    %get3A_421 = vector.load %arg22[%get3A_419, %get3A_420] : memref<1x128xf32, #tpu.memory_space<vmem>>, vector<1x128xf32>
    %add3A_422 = vector.broadcast %get3A_421 : vector<1x128xf32> to vector<80x128xf32>
    %add3A_423 = arith.addf %add3A_418, %add3A_422 : vector<80x128xf32>
    %max3A = arith.constant 0.000000e+00 : f32
    %max3A_424 = vector.broadcast %max3A : f32 to vector<80x128xf32>
    %max3A_425 = arith.maximumf %add3A_423, %max3A_424 : vector<80x128xf32>
    %get3A_426 = arith.constant 0 : index
    %get3A_427 = arith.constant 0 : index
    %get3A_428 = vector.load %arg23[%get3A_426, %get3A_427] : memref<128x128xf32, #tpu.memory_space<vmem>>, vector<128x128xf32>
    %dot_general3A_429 = arith.constant dense<0.000000e+00> : vector<80x128xf32>
    %dot_general3A_430 = tpu.matmul %max3A_425, %get3A_428, %dot_general3A_429 {dimension_numbers = #tpu.dot_dimension_numbers<[1], [0], [0], [1], [0, 0, 1, 1], [], []>, precision = #tpu.contract_precision<fp32>, transpose_lhs_hint = false} : vector<80x128xf32>, vector<128x128xf32>, vector<80x128xf32> -> vector<80x128xf32>
    %get3A_431 = arith.constant 0 : index
    %get3A_432 = arith.constant 0 : index
    %get3A_433 = vector.load %arg24[%get3A_431, %get3A_432] : memref<1x128xf32, #tpu.memory_space<vmem>>, vector<1x128xf32>
    %add3A_434 = vector.broadcast %get3A_433 : vector<1x128xf32> to vector<80x128xf32>
    %add3A_435 = arith.addf %dot_general3A_430, %add3A_434 : vector<80x128xf32>
    %swap3A = arith.constant 0 : index
    %swap3A_436 = arith.constant 0 : index
    %swap3A_437 = vector.load %arg25[%swap3A, %swap3A_436] : memref<80x128xf32, #tpu.memory_space<vmem>>, vector<80x128xf32>
    tpu.vector_store %arg25[%swap3A, %swap3A_436], %add3A_435 {strides = array<i32>} : memref<80x128xf32, #tpu.memory_space<vmem>>, vector<80x128xf32>,
    return
  }
  func.func @transform_0(%arg0: i32) -> (i32, i32) {
    %c0_i32 = arith.constant 0 : i32
    %c0_i32_0 = arith.constant 0 : i32
    return %arg0, %c0_i32 : i32, i32
  }
  func.func @transform_1(%arg0: i32) -> (i32, i32) {
    %add3A = arith.constant 2500 : i32
    %add3A_0 = arith.addi %add3A, %arg0 : i32
    %c0_i32 = arith.constant 0 : i32
    %c0_i32_1 = arith.constant 0 : i32
    return %add3A_0, %c0_i32 : i32, i32
  }
  func.func @transform_2(%arg0: i32) -> (i32, i32) {
    %c0_i32 = arith.constant 0 : i32
    %c0_i32_0 = arith.constant 0 : i32
    return %arg0, %c0_i32 : i32, i32
  }
  func.func @transform_3(%arg0: i32) -> (i32, i32) {
    %c0_i32 = arith.constant 0 : i32
    %c0_i32_0 = arith.constant 0 : i32
    return %arg0, %c0_i32 : i32, i32
  }
  func.func @transform_4(%arg0: i32) -> (i32, i32) {
    %c0_i32 = arith.constant 0 : i32
    %c0_i32_0 = arith.constant 0 : i32
    return %arg0, %c0_i32 : i32, i32
  }
  func.func @transform_5(%arg0: i32) -> (i32, i32) {
    %c0_i32 = arith.constant 0 : i32
    %c0_i32_0 = arith.constant 0 : i32
    return %arg0, %c0_i32 : i32, i32
  }
  func.func @transform_6(%arg0: i32) -> (i32, i32) {
    %c0_i32 = arith.constant 0 : i32
    %c0_i32_0 = arith.constant 0 : i32
    %c0_i32_1 = arith.constant 0 : i32
    return %c0_i32, %c0_i32_0 : i32, i32
  }
  func.func @transform_7(%arg0: i32) -> (i32, i32) {
    %c0_i32 = arith.constant 0 : i32
    %c0_i32_0 = arith.constant 0 : i32
    %c0_i32_1 = arith.constant 0 : i32
    return %c0_i32, %c0_i32_0 : i32, i32
  }
  func.func @transform_8(%arg0: i32) -> (i32, i32) {
    %c0_i32 = arith.constant 0 : i32
    %c0_i32_0 = arith.constant 0 : i32
    %c0_i32_1 = arith.constant 0 : i32
    return %c0_i32, %c0_i32_0 : i32, i32
  }
  func.func @transform_9(%arg0: i32) -> (i32, i32) {
    %c0_i32 = arith.constant 0 : i32
    %c0_i32_0 = arith.constant 0 : i32
    %c0_i32_1 = arith.constant 0 : i32
    return %c0_i32, %c0_i32_0 : i32, i32
  }
  func.func @transform_10(%arg0: i32) -> (i32, i32) {
    %c0_i32 = arith.constant 0 : i32
    %c0_i32_0 = arith.constant 0 : i32
    %c0_i32_1 = arith.constant 0 : i32
    return %c0_i32, %c0_i32_0 : i32, i32
  }
  func.func @transform_11(%arg0: i32) -> (i32, i32) {
    %c0_i32 = arith.constant 0 : i32
    %c0_i32_0 = arith.constant 0 : i32
    %c0_i32_1 = arith.constant 0 : i32
    return %c0_i32, %c0_i32_0 : i32, i32
  }
  func.func @transform_12(%arg0: i32) -> (i32, i32) {
    %c0_i32 = arith.constant 0 : i32
    %c0_i32_0 = arith.constant 0 : i32
    %c0_i32_1 = arith.constant 0 : i32
    return %c0_i32, %c0_i32_0 : i32, i32
  }
  func.func @transform_13(%arg0: i32) -> (i32, i32) {
    %c0_i32 = arith.constant 0 : i32
    %c0_i32_0 = arith.constant 0 : i32
    %c0_i32_1 = arith.constant 0 : i32
    return %c0_i32, %c0_i32_0 : i32, i32
  }
  func.func @transform_14(%arg0: i32) -> (i32, i32) {
    %c0_i32 = arith.constant 0 : i32
    %c0_i32_0 = arith.constant 0 : i32
    %c0_i32_1 = arith.constant 0 : i32
    return %c0_i32, %c0_i32_0 : i32, i32
  }
  func.func @transform_15(%arg0: i32) -> (i32, i32) {
    %c0_i32 = arith.constant 0 : i32
    %c0_i32_0 = arith.constant 0 : i32
    %c0_i32_1 = arith.constant 0 : i32
    return %c0_i32, %c0_i32_0 : i32, i32
  }
  func.func @transform_16(%arg0: i32) -> (i32, i32) {
    %c0_i32 = arith.constant 0 : i32
    %c0_i32_0 = arith.constant 0 : i32
    %c0_i32_1 = arith.constant 0 : i32
    return %c0_i32, %c0_i32_0 : i32, i32
  }
  func.func @transform_17(%arg0: i32) -> (i32, i32) {
    %c0_i32 = arith.constant 0 : i32
    %c0_i32_0 = arith.constant 0 : i32
    %c0_i32_1 = arith.constant 0 : i32
    return %c0_i32, %c0_i32_0 : i32, i32
  }
  func.func @transform_18(%arg0: i32) -> (i32, i32) {
    %c0_i32 = arith.constant 0 : i32
    %c0_i32_0 = arith.constant 0 : i32
    %c0_i32_1 = arith.constant 0 : i32
    return %c0_i32, %c0_i32_0 : i32, i32
  }
  func.func @transform_19(%arg0: i32) -> (i32, i32) {
    %c0_i32 = arith.constant 0 : i32
    %c0_i32_0 = arith.constant 0 : i32
    %c0_i32_1 = arith.constant 0 : i32
    return %c0_i32, %c0_i32_0 : i32, i32
  }
  func.func @transform_20(%arg0: i32) -> (i32, i32) {
    %c0_i32 = arith.constant 0 : i32
    %c0_i32_0 = arith.constant 0 : i32
    %c0_i32_1 = arith.constant 0 : i32
    return %c0_i32, %c0_i32_0 : i32, i32
  }
  func.func @transform_21(%arg0: i32) -> (i32, i32) {
    %c0_i32 = arith.constant 0 : i32
    %c0_i32_0 = arith.constant 0 : i32
    %c0_i32_1 = arith.constant 0 : i32
    return %c0_i32, %c0_i32_0 : i32, i32
  }
  func.func @transform_22(%arg0: i32) -> (i32, i32) {
    %c0_i32 = arith.constant 0 : i32
    %c0_i32_0 = arith.constant 0 : i32
    %c0_i32_1 = arith.constant 0 : i32
    return %c0_i32, %c0_i32_0 : i32, i32
  }
  func.func @transform_23(%arg0: i32) -> (i32, i32) {
    %c0_i32 = arith.constant 0 : i32
    %c0_i32_0 = arith.constant 0 : i32
    %c0_i32_1 = arith.constant 0 : i32
    return %c0_i32, %c0_i32_0 : i32, i32
  }
  func.func @transform_24(%arg0: i32) -> (i32, i32) {
    %c0_i32 = arith.constant 0 : i32
    %c0_i32_0 = arith.constant 0 : i32
    return %arg0, %c0_i32 : i32, i32
  }
}

</mosaic_0001>

<sc_bundles>
// kernel: kernel.6.cloned.1.call-start
scs
__scs_entry_jumppad:
0x0: {  	(pc) =	sbr.rel $0x88, $3  }
0x1: {  	(tag) =	ssettag $0x0;
	lr =	simm.s32 $0x1  }
0x2: {  	[smem:$0x3F8B] =	sst lr;
	_ =	strace $0xD0000000  }
0x3: {  	_ = 	snop  }
0x4: {  	_ = 	snop  }
0x5: {  	_ = 	snop  }
0x6: {  	_ = 	snop  }
0x7: {  	_ = 	snop  }
__scs_overlays_trampoline_lowered:
0x8: {  	[smem:$0x3F9A] =	sst s0  }
0x9: {  	[smem:$0x3F9B] =	sst s1  }
0xa: {  	[smem:$0x3F9C] =	sst s2  }
0xb: {  	[smem:$0x3F9D] =	sst s3  }
0xc: {  	[smem:$0x3F9E] =	sst s4  }
0xd: {  	[smem:$0x3F9F] =	sst s5  }
0xe: {  	[smem:$0x3FA0] =	sst s6  }
0xf: {  	[smem:$0x3FA1] =	sst s7  }
0x10: {  	[smem:$0x3FA2] =	sst s8  }
0x11: {  	[smem:$0x3FA3] =	sst s9;
	s0 =	simm.s32 @!p0 $0x0  }
0x12: {  	s1 =	sld [smem:$0x3F89];
	s0 =	simm.s32 @p0 $0x1  }
0x13: {  	[smem:$0x3FA4] =	sst s0;
	s0 =	simm.s32 @!p1 $0x0  }
0x14: {  	s2 =	sld [smem:$0x3F88];
	s0 =	simm.s32 @p1 $0x1  }
0x15: {  	[smem:$0x3FA5] =	sst s0;
	s0 =	simm.s32 @!p2 $0x0  }
0x16: {  	s3 =	sld [smem:$0x3FDB];
	s0 =	simm.s32 @p2 $0x1  }
0x17: {  	s4 =	simm.s32 $0x1BF5;
	[smem:$0x3FA7] =	sst s0  }
0x18: {  	s0 =	sld [smem:$0x3F8A];
	_ =	swait.ge [sflag:s4], $0x0  }
0x19: {  	s7 =	sld [smem:$0x3F8B]  }
0x1a: {  	s8 =	sadd.s32 $0xFFFFE003, lr  }
0x1b: {  	s9 =	sadd.s32 $0xFFFFFEF7, lr;
	s5 =	simm.s32 $0xFFFFFFFF;
	p2 =	slt.u32 s8, $0xFFFFF086  }
0x1c: {  	p1 =	slt.u32 s9, $0xF7A;
	s5 =	simm.s32 @!p2 $0x0  }
0x1d: {  	s5 =	simm.s32 @p1 $0x1;
	p0 =	seq.s32 s7, s2  }
0x1e: {  	s7 =	smul.u32 @!p0 $0xF7A, s2;
	p2 =	seq.s32 @!p0 s5, $0x0  }
0x1f: {  	s9 =	smul.u32 $0xF7A, s1;
	s8 =	simm.s32 @!p0 $0x1BF5;
	p2 =	por !p2, p0  }
0x20: {  	[sflag:s8] =	ssyncset.s32 @!p0 $0xFFFFF086;
	s6 =	sadd.s32 @!p0 s3, s7;
	s7 =	simm.s32 @!p0 $0x108  }
0x21: {  	s3 =	sadd.s32 s3, s9;
	s6 =	sadd.s32 @!p0 $0x88, s6;
	s7 =	simm.s32 @p2 $0x1082  }
0x22: {  	[simem:s7], [sflag:s8] =	dma.local @!p0 [hbm:s6], $0xF7A  }
0x23: {  	s9 =	sor.u32 $0xD0000000, s2;
	s6 =	simm.s32 $0x108;
	_ =	swait.ge @!p0 [sflag:s8], $0x0  }
0x24: {  	s3 =	sadd.s32 $0x88, s3;
	s6 =	simm.s32 @!p1 $0x1082;
	[sflag:s4] =	ssyncset.s32 $0xFFFFF086  }
0x25: {  	[simem:s6], [sflag:s4] =	dma.local [hbm:s3], $0xF7A  }
0x26: {  	[smem:$0x3F8B] =	sst s1;
	(tag) =	ssettag s2;
	_ =	strace s9  }
0x27: {  	s1 =	sld [smem:$0x3F9B]  }
0x28: {  	s2 =	sld [smem:$0x3F9C]  }
0x29: {  	s4 =	sld [smem:$0x3F9E]  }
0x2a: {  	p0 =	seq.s32 s5, $0x0;
	s5 =	sld [smem:$0x3F9F]  }
0x2b: {  	s6 =	sld [smem:$0x3FA0]  }
0x2c: {  	s7 =	sld [smem:$0x3FA1]  }
0x2d: {  	s3 =	simm.s32 $0x108;
	s8 =	sld [smem:$0x3FA2]  }
0x2e: {  	s3 =	simm.s32 @!p0 $0x1082;
	s9 =	sld [smem:$0x3FA3]  }
0x2f: {  	lr =	sadd.s32 s0, s3;
	s0 =	sld [smem:$0x3F9A]  }
0x30: {  	s3 =	sld [smem:$0x3F9D]  }
0x31: {  	[smem:$0x3FA6] =	sst s10  }
0x32: {  	s10 =	sld [smem:$0x3FA4];
	_ =	sdelay $0x3  }
0x33: {  	p0 =	seq.s32 s10, $0x1;
	s10 =	sld [smem:$0x3FA6];
	_ =	sdelay $0x3  }
0x34: {  	[smem:$0x3FA6] =	sst s10  }
0x35: {  	s10 =	sld [smem:$0x3FA5];
	_ =	sdelay $0x3  }
0x36: {  	p1 =	seq.s32 s10, $0x1;
	s10 =	sld [smem:$0x3FA6];
	_ =	sdelay $0x3  }
0x37: {  	[smem:$0x3FA6] =	sst s10  }
0x38: {  	s10 =	sld [smem:$0x3FA7]  }
0x39: {  	_ = 	snop;
	(pc) =	sbr.ind lr, $3  }
0x3a: {  	_ = 	snop  }
0x3b: {  	_ = 	snop  }
0x3c: {  	p2 =	seq.s32 s10, $0x1;
	s10 =	sld [smem:$0x3FA6]  }
0x3d: {  	_ =	shalt  }
0x3e: {  	_ =	shalt  }
0x3f: {  	_ =	shalt  }
0x40: {  	_ =	shalt  }
0x41: {  	_ =	shalt  }
0x42: {  	_ =	shalt  }
0x43: {  	_ =	shalt  }
0x44: {  	_ =	shalt  }
0x45: {  	_ =	shalt  }
0x46: {  	_ =	shalt  }
0x47: {  	_ =	shalt  }
0x48: {  	_ =	shalt  }
0x49: {  	_ =	shalt  }
0x4a: {  	_ =	shalt  }
0x4b: {  	_ =	shalt  }
0x4c: {  	_ =	shalt  }
0x4d: {  	_ =	shalt  }
0x4e: {  	_ =	shalt  }
0x4f: {  	_ =	shalt  }
0x50: {  	_ =	shalt  }
0x51: {  	_ =	shalt  }
0x52: {  	_ =	shalt  }
0x53: {  	_ =	shalt  }
0x54: {  	_ =	shalt  }
0x55: {  	_ =	shalt  }
0x56: {  	_ =	shalt  }
0x57: {  	_ =	shalt  }
0x58: {  	_ =	shalt  }
0x59: {  	_ =	shalt  }
0x5a: {  	_ =	shalt  }
0x5b: {  	_ =	shalt  }
0x5c: {  	_ =	shalt  }
0x5d: {  	_ =	shalt  }
0x5e: {  	_ =	shalt  }
0x5f: {  	_ =	shalt  }
0x60: {  	_ =	shalt  }
0x61: {  	_ =	shalt  }
0x62: {  	_ =	shalt  }
0x63: {  	_ =	shalt  }
0x64: {  	_ =	shalt  }
0x65: {  	_ =	shalt  }
0x66: {  	_ =	shalt  }
0x67: {  	_ =	shalt  }
0x68: {  	_ =	shalt  }
0x69: {  	_ =	shalt  }
0x6a: {  	_ =	shalt  }
0x6b: {  	_ =	shalt  }
0x6c: {  	_ =	shalt  }
0x6d: {  	_ =	shalt  }
0x6e: {  	_ =	shalt  }
0x6f: {  	_ =	shalt  }
0x70: {  	_ =	shalt  }
0x71: {  	_ =	shalt  }
0x72: {  	_ =	shalt  }
0x73: {  	_ =	shalt  }
0x74: {  	_ =	shalt  }
0x75: {  	_ =	shalt  }
0x76: {  	_ =	shalt  }
0x77: {  	_ =	shalt  }
0x78: {  	_ =	shalt  }
0x79: {  	_ =	shalt  }
0x7a: {  	_ =	shalt  }
0x7b: {  	_ =	shalt  }
0x7c: {  	_ =	shalt  }
0x7d: {  	_ =	shalt  }
0x7e: {  	_ =	shalt  }
0x7f: {  	_ =	shalt  }
0x80: {  	_ =	shalt  }
0x81: {  	_ =	shalt  }
0x82: {  	_ =	shalt  }
0x83: {  	_ =	shalt  }
0x84: {  	_ =	shalt  }
0x85: {  	_ =	shalt  }
0x86: {  	_ =	shalt  }
0x87: {  	_ =	shalt  }
.Lfunc_end0:
.L_simem_size_0:
called_computation_lowered:
.L_overlay_start_0:
0x88: {  	s0 =	sld [smem:$0x3FD9]  }
0x89: {  	s1 =	sld [smem:$0x3FFE];
	_ =	sdelay $0x3  }
0x8a: {  	s0 =	sadd.s32 s1, s0  }
0x8b: {  	[smem:$0x3FB2] =	sst s0  }
0x8c: {  	_ = 	snop  }
0x8d: {  	(tm) =	ssettm $0x1  }
0x8e: {  	s15 =	sld [smem:$0x3FFB];
	_ =	sdelay $0x3  }
0x8f: {  	_ =	strace s15  }
0x90: {  	s0 =	sld [smem:$0x3FFC];
	_ =	sdelay $0x3  }
0x91: {  	_ =	strace s0  }
0x92: {  	s0 =	sld [smem:$0x3FFD];
	_ =	sdelay $0x3  }
0x93: {  	_ =	strace s0  }
0x94: {  	_ =	strace $0x8FFFFFFF  }
0x95: {  	s16 =	sld [smem:$0x3FDB];
	_ =	sdelay $0x1  }
0x96: {  	s17 =	simm.s32 $_scs_section_size  }
0x97: {  	s2 =	simm.s32 $_size__tile_overlayer_lowered;
	s3 =	simm.s32 $_tile_overlayer_lowered  }
0x98: {  	s20 =	simm.s32 $0x1BFF;
	s19 =	sshll.u32 s3, $0x1;
	s0 =	sadd.s32 s17, s16  }
0x99: {  	s4 =	simm.s32 $0x0;
	s18 =	sshll.u32 s2, $0x1;
	s2 =	sadd.s32 s19, s0  }
0x9a: {  	[timem:s4], [sflag:s20] =	dma.local [hbm:s2], s18  }
0x9b: {  	_ =	swait.ge [sflag:s20], s18  }
0x9c: {  	s1 =	ssub.s32 $0x0, s18;
	[sflag:s20] =	ssyncset.done $0x0  }
0x9d: {  	[sflag:s20] =	ssyncadd.s32 s1;
	_ =	sdelay $0x1  }
0x9e: {  	s21 =	simm.s32 $0x1B8B  }
0x9f: {  	_ =	swait.ge [sflag:s21], $0x1  }
0xa0: {  	[sflag:s21] =	ssyncset.done $0x0  }
0xa1: {  	s23 =	simm.s32 $0x1B8E;
	s22 =	sld [smem:$0x3FFE];
	[sflag:s21] =	ssyncadd.s32 $0xFFFFFFFF  }
0xa2: {  	s24 =	simm.s32 $execute0_lowered;
	[smem:$0x3FD2] =	sst s23  }
0xa3: {  	s2 =	sshll.u32 s24, $0x1;
	_ =	strace $0x80000049;
	[dreg:$0x1] =	wrdreg $0xFFFFFFFF  }
0xa4: {  	s25 =	simm.s32 $_size_execute0_lowered;
	s0 =	sadd.s32 s0, s2;
	[dreg:$0x0] =	wrdreg $0x0  }
0xa5: {  	s2 =	sshll.u32 s25, $0x1;
	[dreg:$0x2] =	wrdreg s0  }
0xa6: {  	[dreg:$0x3] =	wrdreg s2  }
0xa7: {  	[dreg:$0x4] =	wrdreg $0xC0  }
0xa8: {  	_ =	task [dreg:s4], $0x5FFFF  }
0xa9: {  	[dreg:$0x1] =	wrdreg $0xFFFFFFFF  }
0xaa: {  	[dreg:$0x0] =	wrdreg $0x60  }
0xab: {  	[dreg:$0x2] =	wrdreg s22  }
0xac: {  	[dreg:$0x3] =	wrdreg $0x9  }
0xad: {  	_ =	task.clear_ibuf [dreg:s4], $0x4FFFF;
	_ =	strace $0x90000049  }
0xae: {  	s26 =	simm.s32 $0x9;
	_ =	strace $0x8000004B  }
0xaf: {  	_ =	swait.ge [sflag:s26], $0x1  }
0xb0: {  	[sflag:s26] =	ssyncadd.s32 $0xFFFFFFFF  }
0xb1: {  	_ =	strace $0x9000004B  }
0xb2: {  	_ =	sfence  }
0xb3: {  	s28 =	sld [smem:$0x0];
	_ =	sdelay $0x1  }
0xb4: {  	s29 =	srdreg.scid  }
0xb5: {  	s30 =	sshll.u32 s29, $0xD;
	s31 =	sshrl.u32 s29, $0x2  }
0xb6: {  	s1 =	sand.u32 $0x1, s29;
	s2 =	sand.u32 $0x4000, s30;
	s0 =	sadd.s32 s31, s28  }
0xb7: {  	s1 =	sor.u32 s2, s1;
	s0 =	sshll.u32 s0, $0x11  }
0xb8: {  	s0 =	sor.u32 s0, s1  }
0xb9: {  	s0 =	sadd.s32 $0x8F2B, s0  }
0xba: {  	[sflag:s0] =	ssyncadd.remote.s32 $0x1  }
0xbb: {  	_ =	sfence.sel $0xFFFF  }
0xbc: {  	[dreg:$0x0] =	wrdreg $0xFFFFFFFF;
	(pc) =	sbr.abs _section_cstart, $3  }
0xbd: {  	[dreg:$0x1] =	wrdreg $0xFFFFFFFF  }
0xbe: {  	_ =	task.clear_ibuf [dreg:s4], $0x2FFFF;
	_ =	strace $0x9FFFFFFF  }
0xbf: {  	(tm) =	ssettm $0x7FFFFFFF  }
tec
execute0_lowered:
.L_overlay_start_1:
0x0: {  	(tag) =	ssettag $0x1  }
0x1: {  	s0 =	stileid.u32  }
0x2: {  	s3 =	smul.u32 $0x3480, s0;
	_ =	sdelay $0x1  }
0x3: {  	s7 =	rddreg [dreg:$0x0];
	s2 =	simm.s32 $0x0;
	s3 =	sshrl.u32 s3, $0x3  }
0x4: {  	[smem:$0x7FF] =	sst s2;
	s3 =	sadd.s32 s3, s7  }
0x5: {  	s1 =	rddreg [dreg:$0x1];
	_ =	strace $0x8000004A;
	s3 =	sadd.s32 $0x1F5000, s3  }
0x6: {  	[tilespmem:s2], [sflag:$0x3] =	stream.linear.gather [hbm4b:s3+s2], $0x3480, $0x38;
	[tilespmem:$0x17480] =	vst v63  }
0x7: {  	s3 =	simm.s32 $0x3  }
0x8: {  	_ =	swait.ge [sflag:s3], $0x3480  }
0x9: {  	s5 =	simm.s32 $0x140;
	[sflag:s3] =	ssyncset.done $0x0  }
0xa: {  	s8 =	simm.s32 $0x3480;
	s4 =	sadd.s32 $0x6E600, s7;
	[sflag:s3] =	ssyncadd.s32 $0xFFFFCB80  }
0xb: {  	[tilespmem:s8], [sflag:$0x1] =	stream.indirect.gather [hbm4b:s4+s5], $0x80, s2, s5, $0xb8;
	[tilespmem:$0x17480] =	vst v63  }
0xc: {  	s9 =	simm.s32 $0xD480;
	s10 =	simm.s32 $0x1;
	s6 =	smul.u32 $0x34800, s0  }
0xd: {  	[tilespmem:s9], [sflag:$0x2] =	stream.indirect.gather [hbm4b:s4+s5], $0x80, s5, s5, $0xb8;
	[tilespmem:$0x17480] =	vst v63  }
0xe: {  	s7 =	sadd.s32 $0x1FBA00, s7;
	_ =	swait.ge [sflag:s10], $0xA000  }
0xf: {  	s11 =	sadd.s32 s6, s7;
	[sflag:s10] =	ssyncset.done $0x0  }
0x10: {  	s13 =	sadd.s32 $0x0, s11;
	[sflag:s10] =	ssyncadd.s32 $0xFFFF6000  }
0x11: {  	[hbm4b:s13+s2] =	stream.linear.scatter [tilespmem:s8], [sflag:$0x3], $0xA000, $0x38;
	[tilespmem:$0x17480] =	vst v63  }
0x12: {  	_ =	swait.ge [sflag:s3], $0xA000  }
0x13: {  	[sflag:s3] =	ssyncset.done $0x0  }
0x14: {  	s12 =	simm.s32 $0x2;
	s14 =	simm.s32 $0x280;
	[sflag:s3] =	ssyncadd.s32 $0xFFFF6000  }
0x15: {  	[tilespmem:s8], [sflag:$0x1] =	stream.indirect.gather [hbm4b:s4+s5], $0x80, s14, s5, $0xb8;
	[tilespmem:$0x17480] =	vst v63  }
0x16: {  	_ =	swait.ge [sflag:s12], $0xA000  }
0x17: {  	[sflag:s12] =	ssyncset.done $0x0  }
0x18: {  	s13 =	sadd.s32 $0x1400, s13;
	[sflag:s12] =	ssyncadd.s32 $0xFFFF6000  }
0x19: {  	[hbm4b:s13+s2] =	stream.linear.scatter [tilespmem:s9], [sflag:$0x3], $0xA000, $0x38;
	[tilespmem:$0x17480] =	vst v63  }
0x1a: {  	_ =	swait.ge [sflag:s3], $0xA000  }
0x1b: {  	s15 =	simm.s32 $0x640;
	[sflag:s3] =	ssyncset.done $0x0  }
0x1c: {  	s14 =	simm.s32 $0x2800;
	s13 =	simm.s32 $0x3C0;
	[sflag:s3] =	ssyncadd.s32 $0xFFFF6000  }
.LBB2_1:
0x1d: {  	[tilespmem:s9], [sflag:$0x2] =	stream.indirect.gather [hbm4b:s4+s5], $0x80, s13, s5, $0xb8;
	[tilespmem:$0x17480] =	vst v63  }
0x1e: {  	s16 =	smov.u32 s14;
	s13 =	smov.u32 s15  }
0x1f: {  	p0 =	sne.s32 s14, $0x2F800;
	s14 =	sadd.s32 $0x2800, s14;
	_ =	swait.ge [sflag:s10], $0xA000  }
0x20: {  	[sflag:s10] =	ssyncset.done $0x0  }
0x21: {  	s16 =	sadd.s32 s16, s11;
	[sflag:s10] =	ssyncadd.s32 $0xFFFF6000  }
0x22: {  	[hbm4b:s16+s2] =	stream.linear.scatter [tilespmem:s8], [sflag:$0x3], $0xA000, $0x38;
	[tilespmem:$0x17480] =	vst v63  }
0x23: {  	_ =	swait.ge [sflag:s3], $0xA000  }
0x24: {  	[sflag:s3] =	ssyncset.done $0x0  }
0x25: {  	s17 =	sadd.s32 $0xFFFFFEC0, s15;
	[sflag:s3] =	ssyncadd.s32 $0xFFFF6000  }
0x26: {  	[tilespmem:s8], [sflag:$0x1] =	stream.indirect.gather [hbm4b:s4+s5], $0x80, s17, s5, $0xb8;
	[tilespmem:$0x17480] =	vst v63  }
0x27: {  	_ =	swait.ge [sflag:s12], $0xA000  }
0x28: {  	[sflag:s12] =	ssyncset.done $0x0  }
.Ltmp0:
0x29: {  	s16 =	sadd.s32 $0x1400, s16;
	[sflag:s12] =	ssyncadd.s32 $0xFFFF6000;
	(pc) =	sbr.rel @p0 .LBB2_1-.Ltmp0, $4  }
0x2a: {  	[hbm4b:s16+s2] =	stream.linear.scatter [tilespmem:s9], [sflag:$0x3], $0xA000, $0x38;
	[tilespmem:$0x17480] =	vst v63  }
0x2b: {  	_ =	swait.ge [sflag:s3], $0xA000  }
0x2c: {  	[sflag:s3] =	ssyncset.done $0x0  }
0x2d: {  	s15 =	sadd.s32 $0x280, s15;
	[sflag:s3] =	ssyncadd.s32 $0xFFFF6000  }
0x2e: {  	[tilespmem:s9], [sflag:$0x2] =	stream.indirect.gather [hbm4b:s4+s5], $0x80, s13, s5, $0xb8;
	[tilespmem:$0x17480] =	vst v63  }
0x2f: {  	s2 =	simm.s32 $0x1  }
0x30: {  	s25 =	sadd.s32 s7, s6;
	_ =	swait.ge [sflag:s2], $0xA000  }
0x31: {  	s26 =	simm.s32 $0x0;
	s28 =	simm.s32 $0x3480;
	[sflag:s2] =	ssyncset.done $0x0  }
0x32: {  	s29 =	simm.s32 $0x3;
	s3 =	sadd.s32 $0x32000, s25;
	[sflag:s2] =	ssyncadd.s32 $0xFFFF6000  }
0x33: {  	[hbm4b:s3+s26] =	stream.linear.scatter [tilespmem:s28], [sflag:$0x3], $0xA000, $0x38;
	[tilespmem:$0x17480] =	vst v63  }
0x34: {  	_ =	swait.ge [sflag:s29], $0xA000  }
0x35: {  	[sflag:s29] =	ssyncset.done $0x0  }
0x36: {  	s30 =	simm.s32 $0x2;
	[sflag:s29] =	ssyncadd.s32 $0xFFFF6000  }
0x37: {  	_ =	swait.ge [sflag:s30], $0xA000  }
0x38: {  	[sflag:s30] =	ssyncset.done $0x0  }
0x39: {  	s31 =	simm.s32 $0xD480;
	s2 =	sadd.s32 $0x33400, s25;
	[sflag:s30] =	ssyncadd.s32 $0xFFFF6000  }
0x3a: {  	[hbm4b:s2+s26] =	stream.linear.scatter [tilespmem:s31], [sflag:$0x3], $0xA000, $0x38;
	[tilespmem:$0x17480] =	vst v63  }
0x3b: {  	_ =	swait.ge [sflag:s29], $0xA000  }
0x3c: {  	[sflag:s29] =	ssyncset.done $0x0  }
0x3d: {  	[sflag:s29] =	ssyncadd.s32 $0xFFFF6000  }
0x3e: {  	_ =	sfence.sel $0x180000  }
0x3f: {  	[bflag:$0x0] =	sbarrier.arrive $0xFFFF  }
0x40: {  	p0 =	sne.s32 s0, $0x0;
	_ =	strace $0x9000004A  }
0x41: {  	s0 =	sadd.s32 @!p0 $0x100000, s1;
	[bflag:$0x2] =	sbarrier.arrive $0xFFFF  }
0x42: {  	[sflag:s0] =	ssyncadd.tile.s32 @!p0 $0x1;
	_ =	shalt  }
.Lfunc_end2:
_tile_overlayer_lowered:
.L_overlay_start_2:
0x43: {  	(tag) =	ssettag $0x2  }
0x44: {  	s0 =	rddreg [dreg:$0x0];
	s2 =	stileid.u32  }
0x45: {  	s1 =	rddreg [dreg:$0x1];
	p0 =	sne.s32 s2, $0x0  }
0x46: {  	s3 =	rddreg [dreg:$0x2];
	[bflag:$0x3] =	sbarrier.arrive $0xFFFF;
	s2 =	simm.s32 @!p0 $0x1C03  }
0x47: {  	[timem:s3], [sflag:s2] =	dma.local @!p0 [hbm:s0], s1  }
0x48: {  	s0 =	simm.s32 @!p0 $0x3  }
0x49: {  	_ =	swait.ge @!p0 [sflag:s0], s1  }
0x4a: {  	s1 =	ssub.s32 @!p0 $0x0, s1;
	[sflag:s0] =	ssyncset.done @!p0 $0x0  }
0x4b: {  	[sflag:s0] =	ssyncadd.s32 @!p0 s1  }
0x4c: {  	[bflag:$0x3] =	sbarrier.arrive $0xFFFF  }
0x4d: {  	_ =	shalt  }

// kernel: kernel.9.cloned.1.call-start
scs
__scs_entry_jumppad:
0x0: {  	(pc) =	sbr.rel $0x88, $3  }
0x1: {  	(tag) =	ssettag $0x0;
	lr =	simm.s32 $0x1  }
0x2: {  	[smem:$0x3F8B] =	sst lr;
	_ =	strace $0xD0000000  }
0x3: {  	_ = 	snop  }
0x4: {  	_ = 	snop  }
0x5: {  	_ = 	snop  }
0x6: {  	_ = 	snop  }
0x7: {  	_ = 	snop  }
__scs_overlays_trampoline_lowered:
0x8: {  	[smem:$0x3F9A] =	sst s0  }
0x9: {  	[smem:$0x3F9B] =	sst s1  }
0xa: {  	[smem:$0x3F9C] =	sst s2  }
0xb: {  	[smem:$0x3F9D] =	sst s3  }
0xc: {  	[smem:$0x3F9E] =	sst s4  }
0xd: {  	[smem:$0x3F9F] =	sst s5  }
0xe: {  	[smem:$0x3FA0] =	sst s6  }
0xf: {  	[smem:$0x3FA1] =	sst s7  }
0x10: {  	[smem:$0x3FA2] =	sst s8  }
0x11: {  	[smem:$0x3FA3] =	sst s9;
	s0 =	simm.s32 @!p0 $0x0  }
0x12: {  	s1 =	sld [smem:$0x3F89];
	s0 =	simm.s32 @p0 $0x1  }
0x13: {  	[smem:$0x3FA4] =	sst s0;
	s0 =	simm.s32 @!p1 $0x0  }
0x14: {  	s2 =	sld [smem:$0x3F88];
	s0 =	simm.s32 @p1 $0x1  }
0x15: {  	[smem:$0x3FA5] =	sst s0;
	s0 =	simm.s32 @!p2 $0x0  }
0x16: {  	s3 =	sld [smem:$0x3FDB];
	s0 =	simm.s32 @p2 $0x1  }
0x17: {  	s4 =	simm.s32 $0x1BF5;
	[smem:$0x3FA7] =	sst s0  }
0x18: {  	s0 =	sld [smem:$0x3F8A];
	_ =	swait.ge [sflag:s4], $0x0  }
0x19: {  	s7 =	sld [smem:$0x3F8B]  }
0x1a: {  	s8 =	sadd.s32 $0xFFFFE003, lr  }
0x1b: {  	s9 =	sadd.s32 $0xFFFFFEF7, lr;
	s5 =	simm.s32 $0xFFFFFFFF;
	p2 =	slt.u32 s8, $0xFFFFF086  }
0x1c: {  	p1 =	slt.u32 s9, $0xF7A;
	s5 =	simm.s32 @!p2 $0x0  }
0x1d: {  	s5 =	simm.s32 @p1 $0x1;
	p0 =	seq.s32 s7, s2  }
0x1e: {  	s7 =	smul.u32 @!p0 $0xF7A, s2;
	p2 =	seq.s32 @!p0 s5, $0x0  }
0x1f: {  	s9 =	smul.u32 $0xF7A, s1;
	s8 =	simm.s32 @!p0 $0x1BF5;
	p2 =	por !p2, p0  }
0x20: {  	[sflag:s8] =	ssyncset.s32 @!p0 $0xFFFFF086;
	s6 =	sadd.s32 @!p0 s3, s7;
	s7 =	simm.s32 @!p0 $0x108  }
0x21: {  	s3 =	sadd.s32 s3, s9;
	s6 =	sadd.s32 @!p0 $0x88, s6;
	s7 =	simm.s32 @p2 $0x1082  }
0x22: {  	[simem:s7], [sflag:s8] =	dma.local @!p0 [hbm:s6], $0xF7A  }
0x23: {  	s9 =	sor.u32 $0xD0000000, s2;
	s6 =	simm.s32 $0x108;
	_ =	swait.ge @!p0 [sflag:s8], $0x0  }
0x24: {  	s3 =	sadd.s32 $0x88, s3;
	s6 =	simm.s32 @!p1 $0x1082;
	[sflag:s4] =	ssyncset.s32 $0xFFFFF086  }
0x25: {  	[simem:s6], [sflag:s4] =	dma.local [hbm:s3], $0xF7A  }
0x26: {  	[smem:$0x3F8B] =	sst s1;
	(tag) =	ssettag s2;
	_ =	strace s9  }
0x27: {  	s1 =	sld [smem:$0x3F9B]  }
0x28: {  	s2 =	sld [smem:$0x3F9C]  }
0x29: {  	s4 =	sld [smem:$0x3F9E]  }
0x2a: {  	p0 =	seq.s32 s5, $0x0;
	s5 =	sld [smem:$0x3F9F]  }
0x2b: {  	s6 =	sld [smem:$0x3FA0]  }
0x2c: {  	s7 =	sld [smem:$0x3FA1]  }
0x2d: {  	s3 =	simm.s32 $0x108;
	s8 =	sld [smem:$0x3FA2]  }
0x2e: {  	s3 =	simm.s32 @!p0 $0x1082;
	s9 =	sld [smem:$0x3FA3]  }
0x2f: {  	lr =	sadd.s32 s0, s3;
	s0 =	sld [smem:$0x3F9A]  }
0x30: {  	s3 =	sld [smem:$0x3F9D]  }
0x31: {  	[smem:$0x3FA6] =	sst s10  }
0x32: {  	s10 =	sld [smem:$0x3FA4];
	_ =	sdelay $0x3  }
0x33: {  	p0 =	seq.s32 s10, $0x1;
	s10 =	sld [smem:$0x3FA6];
	_ =	sdelay $0x3  }
0x34: {  	[smem:$0x3FA6] =	sst s10  }
0x35: {  	s10 =	sld [smem:$0x3FA5];
	_ =	sdelay $0x3  }
0x36: {  	p1 =	seq.s32 s10, $0x1;
	s10 =	sld [smem:$0x3FA6];
	_ =	sdelay $0x3  }
0x37: {  	[smem:$0x3FA6] =	sst s10  }
0x38: {  	s10 =	sld [smem:$0x3FA7]  }
0x39: {  	_ = 	snop;
	(pc) =	sbr.ind lr, $3  }
0x3a: {  	_ = 	snop  }
0x3b: {  	_ = 	snop  }
0x3c: {  	p2 =	seq.s32 s10, $0x1;
	s10 =	sld [smem:$0x3FA6]  }
0x3d: {  	_ =	shalt  }
0x3e: {  	_ =	shalt  }
0x3f: {  	_ =	shalt  }
0x40: {  	_ =	shalt  }
0x41: {  	_ =	shalt  }
0x42: {  	_ =	shalt  }
0x43: {  	_ =	shalt  }
0x44: {  	_ =	shalt  }
0x45: {  	_ =	shalt  }
0x46: {  	_ =	shalt  }
0x47: {  	_ =	shalt  }
0x48: {  	_ =	shalt  }
0x49: {  	_ =	shalt  }
0x4a: {  	_ =	shalt  }
0x4b: {  	_ =	shalt  }
0x4c: {  	_ =	shalt  }
0x4d: {  	_ =	shalt  }
0x4e: {  	_ =	shalt  }
0x4f: {  	_ =	shalt  }
0x50: {  	_ =	shalt  }
0x51: {  	_ =	shalt  }
0x52: {  	_ =	shalt  }
0x53: {  	_ =	shalt  }
0x54: {  	_ =	shalt  }
0x55: {  	_ =	shalt  }
0x56: {  	_ =	shalt  }
0x57: {  	_ =	shalt  }
0x58: {  	_ =	shalt  }
0x59: {  	_ =	shalt  }
0x5a: {  	_ =	shalt  }
0x5b: {  	_ =	shalt  }
0x5c: {  	_ =	shalt  }
0x5d: {  	_ =	shalt  }
0x5e: {  	_ =	shalt  }
0x5f: {  	_ =	shalt  }
0x60: {  	_ =	shalt  }
0x61: {  	_ =	shalt  }
0x62: {  	_ =	shalt  }
0x63: {  	_ =	shalt  }
0x64: {  	_ =	shalt  }
0x65: {  	_ =	shalt  }
0x66: {  	_ =	shalt  }
0x67: {  	_ =	shalt  }
0x68: {  	_ =	shalt  }
0x69: {  	_ =	shalt  }
0x6a: {  	_ =	shalt  }
0x6b: {  	_ =	shalt  }
0x6c: {  	_ =	shalt  }
0x6d: {  	_ =	shalt  }
0x6e: {  	_ =	shalt  }
0x6f: {  	_ =	shalt  }
0x70: {  	_ =	shalt  }
0x71: {  	_ =	shalt  }
0x72: {  	_ =	shalt  }
0x73: {  	_ =	shalt  }
0x74: {  	_ =	shalt  }
0x75: {  	_ =	shalt  }
0x76: {  	_ =	shalt  }
0x77: {  	_ =	shalt  }
0x78: {  	_ =	shalt  }
0x79: {  	_ =	shalt  }
0x7a: {  	_ =	shalt  }
0x7b: {  	_ =	shalt  }
0x7c: {  	_ =	shalt  }
0x7d: {  	_ =	shalt  }
0x7e: {  	_ =	shalt  }
0x7f: {  	_ =	shalt  }
0x80: {  	_ =	shalt  }
0x81: {  	_ =	shalt  }
0x82: {  	_ =	shalt  }
0x83: {  	_ =	shalt  }
0x84: {  	_ =	shalt  }
0x85: {  	_ =	shalt  }
0x86: {  	_ =	shalt  }
0x87: {  	_ =	shalt  }
.Lfunc_end0:
.L_simem_size_0:
called_computation.1_lowered:
.L_overlay_start_0:
0x88: {  	s0 =	sld [smem:$0x3FD9]  }
0x89: {  	s1 =	sld [smem:$0x3FFE];
	_ =	sdelay $0x3  }
0x8a: {  	s0 =	sadd.s32 s1, s0  }
0x8b: {  	[smem:$0x3FB2] =	sst s0  }
0x8c: {  	_ = 	snop  }
0x8d: {  	(tm) =	ssettm $0x1  }
0x8e: {  	s15 =	sld [smem:$0x3FFB];
	_ =	sdelay $0x3  }
0x8f: {  	_ =	strace s15  }
0x90: {  	s0 =	sld [smem:$0x3FFC];
	_ =	sdelay $0x3  }
0x91: {  	_ =	strace s0  }
0x92: {  	s0 =	sld [smem:$0x3FFD];
	_ =	sdelay $0x3  }
0x93: {  	_ =	strace s0  }
0x94: {  	_ =	strace $0x8FFFFFFF  }
0x95: {  	s16 =	sld [smem:$0x3FDB];
	_ =	sdelay $0x1  }
0x96: {  	s17 =	simm.s32 $_scs_section_size  }
0x97: {  	s2 =	simm.s32 $_size__tile_overlayer_lowered;
	s3 =	simm.s32 $_tile_overlayer_lowered  }
0x98: {  	s20 =	simm.s32 $0x1BFF;
	s19 =	sshll.u32 s3, $0x1;
	s0 =	sadd.s32 s17, s16  }
0x99: {  	s4 =	simm.s32 $0x0;
	s18 =	sshll.u32 s2, $0x1;
	s2 =	sadd.s32 s19, s0  }
0x9a: {  	[timem:s4], [sflag:s20] =	dma.local [hbm:s2], s18  }
0x9b: {  	_ =	swait.ge [sflag:s20], s18  }
0x9c: {  	s1 =	ssub.s32 $0x0, s18;
	[sflag:s20] =	ssyncset.done $0x0  }
0x9d: {  	[sflag:s20] =	ssyncadd.s32 s1;
	_ =	sdelay $0x1  }
0x9e: {  	s21 =	simm.s32 $0x1B8B  }
0x9f: {  	_ =	swait.ge [sflag:s21], $0x1  }
0xa0: {  	[sflag:s21] =	ssyncset.done $0x0  }
0xa1: {  	s23 =	simm.s32 $0x1B8E;
	s22 =	sld [smem:$0x3FFE];
	[sflag:s21] =	ssyncadd.s32 $0xFFFFFFFF  }
0xa2: {  	s24 =	simm.s32 $execute0_lowered;
	[smem:$0x3FD2] =	sst s23  }
0xa3: {  	s2 =	sshll.u32 s24, $0x1;
	_ =	strace $0x80000046;
	[dreg:$0x1] =	wrdreg $0xFFFFFFFF  }
0xa4: {  	s25 =	simm.s32 $_size_execute0_lowered;
	s0 =	sadd.s32 s0, s2;
	[dreg:$0x0] =	wrdreg $0x0  }
0xa5: {  	s2 =	sshll.u32 s25, $0x1;
	[dreg:$0x2] =	wrdreg s0  }
0xa6: {  	[dreg:$0x3] =	wrdreg s2  }
0xa7: {  	[dreg:$0x4] =	wrdreg $0xC0  }
0xa8: {  	_ =	task [dreg:s4], $0x5FFFF  }
0xa9: {  	[dreg:$0x1] =	wrdreg $0xFFFFFFFF  }
0xaa: {  	[dreg:$0x0] =	wrdreg $0x60  }
0xab: {  	[dreg:$0x2] =	wrdreg s22  }
0xac: {  	[dreg:$0x3] =	wrdreg $0xA  }
0xad: {  	_ =	task.clear_ibuf [dreg:s4], $0x4FFFF;
	_ =	strace $0x90000046  }
0xae: {  	s26 =	simm.s32 $0xA;
	_ =	strace $0x80000048  }
0xaf: {  	_ =	swait.ge [sflag:s26], $0x1  }
0xb0: {  	[sflag:s26] =	ssyncadd.s32 $0xFFFFFFFF  }
0xb1: {  	_ =	strace $0x90000048  }
0xb2: {  	_ =	sfence  }
0xb3: {  	s28 =	sld [smem:$0x0];
	_ =	sdelay $0x1  }
0xb4: {  	s29 =	srdreg.scid  }
0xb5: {  	s30 =	sshll.u32 s29, $0xD;
	s31 =	sshrl.u32 s29, $0x2  }
0xb6: {  	s1 =	sand.u32 $0x1, s29;
	s2 =	sand.u32 $0x4000, s30;
	s0 =	sadd.s32 s31, s28  }
0xb7: {  	s1 =	sor.u32 s2, s1;
	s0 =	sshll.u32 s0, $0x11  }
0xb8: {  	s0 =	sor.u32 s0, s1  }
0xb9: {  	s0 =	sadd.s32 $0x8F2B, s0  }
0xba: {  	[sflag:s0] =	ssyncadd.remote.s32 $0x1  }
0xbb: {  	_ =	sfence.sel $0xFFFF  }
0xbc: {  	[dreg:$0x0] =	wrdreg $0xFFFFFFFF;
	(pc) =	sbr.abs _section_cstart, $3  }
0xbd: {  	[dreg:$0x1] =	wrdreg $0xFFFFFFFF  }
0xbe: {  	_ =	task.clear_ibuf [dreg:s4], $0x2FFFF;
	_ =	strace $0x9FFFFFFF  }
0xbf: {  	(tm) =	ssettm $0x7FFFFFFF  }
tec
execute0_lowered:
.L_overlay_start_1:
0x0: {  	(tag) =	ssettag $0x1  }
0x1: {  	s0 =	stileid.u32  }
0x2: {  	s5 =	rddreg [dreg:$0x0];
	s3 =	smul.u32 $0x640, s0  }
0x3: {  	s1 =	rddreg [dreg:$0x1];
	s2 =	simm.s32 $0x0  }
0x4: {  	[smem:$0x7FF] =	sst s2;
	s3 =	sadd.s32 s3, s5  }
0x5: {  	s18 =	simm.s32 $0x3;
	_ =	strace $0x80000047;
	s3 =	sadd.s32 $0x4200, s3  }
0x6: {  	[tilespmem:s2], [sflag:$0x3] =	stream.linear.gather [hbm4b:s3+s2], $0x3200, $0x38;
	[tilespmem:$0xFA00] =	vst v63  }
0x7: {  	_ =	swait.ge [sflag:s18], $0x3200  }
0x8: {  	s8 =	simm.s32 $0x640;
	[sflag:s18] =	ssyncset.done $0x0  }
0x9: {  	s6 =	simm.s32 $0x3200;
	s7 =	sadd.s32 $0x186E200, s5;
	[sflag:s18] =	ssyncadd.s32 $0xFFFFCE00  }
0xa: {  	[tilespmem:s6], [sflag:$0x1] =	stream.indirect.gather [hbm4b:s7+s8], $0x10, s2, s8, $0xb8;
	[tilespmem:$0xFA00] =	vst v63  }
0xb: {  	s4 =	simm.s32 $0x9600;
	s9 =	simm.s32 $0x1;
	s10 =	smul.u32 $0x6400, s0  }
0xc: {  	[tilespmem:s4], [sflag:$0x2] =	stream.indirect.gather [hbm4b:s7+s8], $0x10, s8, s8, $0xb8;
	[tilespmem:$0xFA00] =	vst v63  }
0xd: {  	_ =	swait.ge [sflag:s9], $0x6400  }
0xe: {  	s5 =	sadd.s32 s10, s5;
	[sflag:s9] =	ssyncset.done $0x0  }
0xf: {  	s10 =	sadd.s32 $0xA600, s5;
	[sflag:s9] =	ssyncadd.s32 $0xFFFF9C00  }
0x10: {  	[hbm4b:s10+s2] =	stream.linear.scatter [tilespmem:s6], [sflag:$0x3], $0x6400, $0x38;
	[tilespmem:$0xFA00] =	vst v63  }
0x11: {  	_ =	swait.ge [sflag:s18], $0x6400  }
0x12: {  	[sflag:s18] =	ssyncset.done $0x0  }
0x13: {  	s19 =	simm.s32 $0xC80;
	s20 =	simm.s32 $0x2;
	[sflag:s18] =	ssyncadd.s32 $0xFFFF9C00  }
0x14: {  	[tilespmem:s6], [sflag:$0x1] =	stream.indirect.gather [hbm4b:s7+s8], $0x10, s19, s8, $0xb8;
	[tilespmem:$0xFA00] =	vst v63  }
0x15: {  	_ =	swait.ge [sflag:s20], $0x6400  }
0x16: {  	[sflag:s20] =	ssyncset.done $0x0  }
0x17: {  	s11 =	sadd.s32 $0xB280, s5;
	[sflag:s20] =	ssyncadd.s32 $0xFFFF9C00  }
0x18: {  	[hbm4b:s11+s2] =	stream.linear.scatter [tilespmem:s4], [sflag:$0x3], $0x6400, $0x38;
	[tilespmem:$0xFA00] =	vst v63  }
0x19: {  	_ =	swait.ge [sflag:s18], $0x6400  }
0x1a: {  	[sflag:s18] =	ssyncset.done $0x0  }
0x1b: {  	s21 =	simm.s32 $0x12C0;
	[sflag:s18] =	ssyncadd.s32 $0xFFFF9C00  }
0x1c: {  	[tilespmem:s4], [sflag:$0x2] =	stream.indirect.gather [hbm4b:s7+s8], $0x10, s21, s8, $0xb8;
	[tilespmem:$0xFA00] =	vst v63  }
0x1d: {  	_ =	swait.ge [sflag:s9], $0x6400  }
0x1e: {  	[sflag:s9] =	ssyncset.done $0x0  }
0x1f: {  	s22 =	sadd.s32 $0xBF00, s5;
	[sflag:s9] =	ssyncadd.s32 $0xFFFF9C00  }
0x20: {  	[hbm4b:s22+s2] =	stream.linear.scatter [tilespmem:s6], [sflag:$0x3], $0x6400, $0x38;
	[tilespmem:$0xFA00] =	vst v63  }
0x21: {  	_ =	swait.ge [sflag:s18], $0x6400  }
0x22: {  	[sflag:s18] =	ssyncset.done $0x0  }
0x23: {  	s23 =	simm.s32 $0x1900;
	[sflag:s18] =	ssyncadd.s32 $0xFFFF9C00  }
0x24: {  	[tilespmem:s6], [sflag:$0x1] =	stream.indirect.gather [hbm4b:s7+s8], $0x10, s23, s8, $0xb8;
	[tilespmem:$0xFA00] =	vst v63  }
0x25: {  	_ =	swait.ge [sflag:s20], $0x6400  }
0x26: {  	[sflag:s20] =	ssyncset.done $0x0  }
0x27: {  	s24 =	sadd.s32 $0xCB80, s5;
	[sflag:s20] =	ssyncadd.s32 $0xFFFF9C00  }
0x28: {  	[hbm4b:s24+s2] =	stream.linear.scatter [tilespmem:s4], [sflag:$0x3], $0x6400, $0x38;
	[tilespmem:$0xFA00] =	vst v63  }
0x29: {  	_ =	swait.ge [sflag:s18], $0x6400  }
0x2a: {  	[sflag:s18] =	ssyncset.done $0x0  }
0x2b: {  	s25 =	simm.s32 $0x1F40;
	[sflag:s18] =	ssyncadd.s32 $0xFFFF9C00  }
0x2c: {  	[tilespmem:s4], [sflag:$0x2] =	stream.indirect.gather [hbm4b:s7+s8], $0x10, s25, s8, $0xb8;
	[tilespmem:$0xFA00] =	vst v63  }
0x2d: {  	_ =	swait.ge [sflag:s9], $0x6400  }
0x2e: {  	[sflag:s9] =	ssyncset.done $0x0  }
0x2f: {  	s26 =	sadd.s32 $0xD800, s5;
	[sflag:s9] =	ssyncadd.s32 $0xFFFF9C00  }
0x30: {  	[hbm4b:s26+s2] =	stream.linear.scatter [tilespmem:s6], [sflag:$0x3], $0x6400, $0x38;
	[tilespmem:$0xFA00] =	vst v63  }
0x31: {  	_ =	swait.ge [sflag:s18], $0x6400  }
0x32: {  	[sflag:s18] =	ssyncset.done $0x0  }
0x33: {  	s28 =	simm.s32 $0x2580;
	[sflag:s18] =	ssyncadd.s32 $0xFFFF9C00  }
0x34: {  	[tilespmem:s6], [sflag:$0x1] =	stream.indirect.gather [hbm4b:s7+s8], $0x10, s28, s8, $0xb8;
	[tilespmem:$0xFA00] =	vst v63  }
0x35: {  	_ =	swait.ge [sflag:s20], $0x6400  }
0x36: {  	[sflag:s20] =	ssyncset.done $0x0  }
0x37: {  	s29 =	sadd.s32 $0xE480, s5;
	[sflag:s20] =	ssyncadd.s32 $0xFFFF9C00  }
0x38: {  	[hbm4b:s29+s2] =	stream.linear.scatter [tilespmem:s4], [sflag:$0x3], $0x6400, $0x38;
	[tilespmem:$0xFA00] =	vst v63  }
0x39: {  	_ =	swait.ge [sflag:s18], $0x6400  }
0x3a: {  	[sflag:s18] =	ssyncset.done $0x0  }
0x3b: {  	s30 =	simm.s32 $0x2BC0;
	[sflag:s18] =	ssyncadd.s32 $0xFFFF9C00  }
0x3c: {  	[tilespmem:s4], [sflag:$0x2] =	stream.indirect.gather [hbm4b:s7+s8], $0x10, s30, s8, $0xb8;
	[tilespmem:$0xFA00] =	vst v63  }
0x3d: {  	_ =	swait.ge [sflag:s9], $0x6400  }
0x3e: {  	[sflag:s9] =	ssyncset.done $0x0  }
0x3f: {  	s31 =	sadd.s32 $0xF100, s5;
	[sflag:s9] =	ssyncadd.s32 $0xFFFF9C00  }
0x40: {  	[hbm4b:s31+s2] =	stream.linear.scatter [tilespmem:s6], [sflag:$0x3], $0x6400, $0x38;
	[tilespmem:$0xFA00] =	vst v63  }
0x41: {  	_ =	swait.ge [sflag:s18], $0x6400  }
0x42: {  	[sflag:s18] =	ssyncset.done $0x0  }
0x43: {  	[sflag:s18] =	ssyncadd.s32 $0xFFFF9C00  }
0x44: {  	_ =	swait.ge [sflag:s20], $0x6400  }
0x45: {  	[sflag:s20] =	ssyncset.done $0x0  }
0x46: {  	s5 =	sadd.s32 $0xFD80, s5;
	[sflag:s20] =	ssyncadd.s32 $0xFFFF9C00  }
0x47: {  	[hbm4b:s5+s2] =	stream.linear.scatter [tilespmem:s4], [sflag:$0x3], $0x6400, $0x38;
	[tilespmem:$0xFA00] =	vst v63  }
0x48: {  	_ =	swait.ge [sflag:s18], $0x6400  }
0x49: {  	[sflag:s18] =	ssyncset.done $0x0  }
0x4a: {  	[sflag:s18] =	ssyncadd.s32 $0xFFFF9C00  }
0x4b: {  	_ =	sfence.sel $0x180000  }
0x4c: {  	[bflag:$0x0] =	sbarrier.arrive $0xFFFF  }
0x4d: {  	p0 =	sne.s32 s0, $0x0;
	_ =	strace $0x90000047  }
0x4e: {  	s0 =	sadd.s32 @!p0 $0x100000, s1;
	[bflag:$0x2] =	sbarrier.arrive $0xFFFF  }
0x4f: {  	[sflag:s0] =	ssyncadd.tile.s32 @!p0 $0x1;
	_ =	shalt  }
.Lfunc_end2:
_tile_overlayer_lowered:
.L_overlay_start_2:
0x50: {  	(tag) =	ssettag $0x2  }
0x51: {  	s0 =	rddreg [dreg:$0x0];
	s2 =	stileid.u32  }
0x52: {  	s1 =	rddreg [dreg:$0x1];
	p0 =	sne.s32 s2, $0x0  }
0x53: {  	s3 =	rddreg [dreg:$0x2];
	[bflag:$0x3] =	sbarrier.arrive $0xFFFF;
	s2 =	simm.s32 @!p0 $0x1C03  }
0x54: {  	[timem:s3], [sflag:s2] =	dma.local @!p0 [hbm:s0], s1  }
0x55: {  	s0 =	simm.s32 @!p0 $0x3  }
0x56: {  	_ =	swait.ge @!p0 [sflag:s0], s1  }
0x57: {  	s1 =	ssub.s32 @!p0 $0x0, s1;
	[sflag:s0] =	ssyncset.done @!p0 $0x0  }
0x58: {  	[sflag:s0] =	ssyncadd.s32 @!p0 s1  }
0x59: {  	[bflag:$0x3] =	sbarrier.arrive $0xFFFF  }
0x5a: {  	_ =	shalt  }

</sc_bundles>
